<compile_context>
chip_gen: v7x
topology: tpu7x:2x2x1
jax: 0.10.2.dev20260603
libtpu: 0.0.44.dev20260713+nightly
codegen_flags: <defaults>
</compile_context>

<pallas_src>
import functools

import jax
import jax.numpy as jnp
from jax import lax
from jax.experimental import pallas as pl
from jax.experimental.pallas import tpu as pltpu
from jax.experimental.pallas import tpu_sc as plsc

B = 16384
D = 64
NC = 2
NS = 16
L = 16
DPC = D // NC
RPT = B // NS
NGROUP = RPT // L
NU = 1000000
THIRD = 333312
CUT = 3 * THIRD
NTAIL = NU - CUT
SENT = 2147483647


def _sc_body(users_hbm, pos_hbm, neg_hbm, utabT_hbm, itabT_hbm,
             utail_hbm, itail_hbm,
             diff_hbm, sq_hbm,
             sp0, sp1, sp2,
             uidx, pidx, nidx,
             tru0, tru1, tru2, trp0, trp1, trp2, trn0, trn1, trn2,
             udst, pdst, ndst, diff_v, sq_v, utail_v, itail_v,
             s0, s1, s2, gsem):
    cid = lax.axis_index("c")
    sid = lax.axis_index("s")
    rbase = sid * RPT
    dbase = cid * DPC
    ssems = (s0, s1, s2)
    sps = (sp0, sp1, sp2)
    trus = (tru0, tru1, tru2)
    trps = (trp0, trp1, trp2)
    trns = (trn0, trn1, trn2)

    pltpu.sync_copy(users_hbm.at[pl.ds(rbase, RPT)], uidx)
    pltpu.sync_copy(pos_hbm.at[pl.ds(rbase, RPT)], pidx)
    pltpu.sync_copy(neg_hbm.at[pl.ds(rbase, RPT)], nidx)
    pltpu.sync_copy(utail_hbm, utail_v)
    pltpu.sync_copy(itail_hbm, itail_v)

    def prep_body(k, _):
        s = pl.ds(k * L, L)
        uv, pv, nv = uidx[s], pidx[s], nidx[s]
        for src, trs in ((uv, trus), (pv, trps), (nv, trns)):
            for piece in range(3):
                lo = piece * THIRD
                m = (src >= lo) & (src < lo + THIRD)
                trs[piece][s] = jnp.where(m, src - lo, SENT)
        diff_v[s] = jnp.zeros((L,), jnp.float32)
        return 0
    lax.fori_loop(0, NGROUP, prep_body, 0)

    def fire(tab, d, piece):
        half = THIRD // 2
        for h in range(2):
            pltpu.async_copy(
                tab.at[d, pl.ds(piece * THIRD + h * half, half)],
                sps[piece].at[pl.ds(h * half, half)], ssems[piece])

    def drain(slot):
        pltpu.make_async_copy(
            utabT_hbm.at[0, pl.ds(0, THIRD)], sps[slot], ssems[slot]).wait()

    @pl.when(sid == 0)
    def _():
        for piece in range(3):
            fire(utabT_hbm, dbase, piece)

    zero = jnp.zeros((L,), jnp.float32)

    def dim_body(d_off, sq_acc):
        d = dbase + d_off

        for j in range(3):
            @pl.when(sid == 0)
            def _(j=j):
                drain(j)
            plsc.subcore_barrier()
            pltpu.async_copy(
                sps[j].at[plsc.Indices(trus[j], ignored_value=SENT)],
                udst, gsem).wait()
            plsc.subcore_barrier()

            @pl.when(sid == 0)
            def _(j=j):
                fire(itabT_hbm, d, j)

        for j in range(3):
            @pl.when(sid == 0)
            def _(j=j):
                drain(j)
            plsc.subcore_barrier()
            cp_p = pltpu.async_copy(
                sps[j].at[plsc.Indices(trps[j], ignored_value=SENT)],
                pdst, gsem)
            cp_n = pltpu.async_copy(
                sps[j].at[plsc.Indices(trns[j], ignored_value=SENT)],
                ndst, gsem)
            cp_p.wait()
            cp_n.wait()

            if j == 2:
                d64 = d * NTAIL

                def group_body(g, sqa):
                    s = pl.ds(g * L, L)
                    u, p, n = udst[s], pdst[s], ndst[s]
                    ivu, ivp, ivn = uidx[s], pidx[s], nidx[s]
                    tu = plsc.load_gather(
                        utail_v, [d64 + jnp.maximum(ivu - CUT, 0)])
                    tp = plsc.load_gather(
                        itail_v, [d64 + jnp.maximum(ivp - CUT, 0)])
                    tn = plsc.load_gather(
                        itail_v, [d64 + jnp.maximum(ivn - CUT, 0)])
                    u = jnp.where(ivu >= CUT, tu, u)
                    p = jnp.where(ivp >= CUT, tp, p)
                    n = jnp.where(ivn >= CUT, tn, n)
                    diff_v[s] = diff_v[s] + u * (p - n)
                    return sqa + (u * u + p * p + n * n)

                sq_acc = lax.fori_loop(0, NGROUP, group_body, sq_acc)

            plsc.subcore_barrier()

            @pl.when((sid == 0) & (d_off + 1 < DPC))
            def _(j=j):
                fire(utabT_hbm, d + 1, j)

        return sq_acc

    sq_acc = lax.fori_loop(0, DPC, dim_body, zero)

    sq_v[...] = sq_acc
    pltpu.sync_copy(diff_v, diff_hbm.at[pl.ds(cid * B + rbase, RPT)])
    pltpu.sync_copy(sq_v, sq_hbm.at[pl.ds((cid * NS + sid) * L, L)])


def _loss_body(diff_ref, sq_ref, out_ref):
    x = diff_ref[:128, :] + diff_ref[128:, :]
    ls = jnp.minimum(x, 0.0) - jnp.log1p(jnp.exp(-jnp.abs(x)))
    loss = -jnp.sum(ls) / B
    reg = jnp.sum(sq_ref[...]) / B
    out_ref[...] = jnp.reshape(loss + 1e-5 * reg, (1, 1))


@jax.jit
def kernel(users, pos_items, neg_items, user_table, item_table):
    mesh = plsc.VectorSubcoreMesh(core_axis_name="c", subcore_axis_name="s")
    sc_fn = pl.kernel(
        _sc_body,
        out_type=[
            jax.ShapeDtypeStruct((NC * B,), jnp.float32),
            jax.ShapeDtypeStruct((NC * NS * L,), jnp.float32),
        ],
        mesh=mesh,
        scratch_types=[
            pltpu.VMEM_SHARED((THIRD,), jnp.float32),
            pltpu.VMEM_SHARED((THIRD,), jnp.float32),
            pltpu.VMEM_SHARED((THIRD,), jnp.float32),
            pltpu.VMEM((RPT,), jnp.int32),
            pltpu.VMEM((RPT,), jnp.int32),
            pltpu.VMEM((RPT,), jnp.int32),
            pltpu.VMEM((RPT,), jnp.int32),
            pltpu.VMEM((RPT,), jnp.int32),
            pltpu.VMEM((RPT,), jnp.int32),
            pltpu.VMEM((RPT,), jnp.int32),
            pltpu.VMEM((RPT,), jnp.int32),
            pltpu.VMEM((RPT,), jnp.int32),
            pltpu.VMEM((RPT,), jnp.int32),
            pltpu.VMEM((RPT,), jnp.int32),
            pltpu.VMEM((RPT,), jnp.int32),

            pltpu.VMEM((RPT,), jnp.float32),
            pltpu.VMEM((RPT,), jnp.float32),
            pltpu.VMEM((RPT,), jnp.float32),
            pltpu.VMEM((RPT,), jnp.float32),
            pltpu.VMEM((L,), jnp.float32),
            pltpu.VMEM((D * NTAIL,), jnp.float32),
            pltpu.VMEM((D * NTAIL,), jnp.float32),
            pltpu.SemaphoreType.DMA,
            pltpu.SemaphoreType.DMA,
            pltpu.SemaphoreType.DMA,
            pltpu.SemaphoreType.DMA,
        ],
        compiler_params=pltpu.CompilerParams(needs_layout_passes=False),
    )
    utail = user_table.T[:, CUT:].reshape(D * NTAIL)
    itail = item_table.T[:, CUT:].reshape(D * NTAIL)
    diff, sq = sc_fn(
        users.astype(jnp.int32),
        pos_items.astype(jnp.int32),
        neg_items.astype(jnp.int32),
        user_table.T,
        item_table.T,
        utail, itail)

    out = pl.pallas_call(
        _loss_body,
        out_shape=jax.ShapeDtypeStruct((1, 1), jnp.float32),
    )(diff.reshape(256, 128), sq.reshape(4, 128))
    return out[0, 0]

# --- scband reference (transcript-rebuilt; emitter-appended) ---
"""Pipeline reference for scband-bprmf-31602369364534 (READ-ONLY COPY).

The authoritative reference and input builder live on the scoring server;
editing this copy changes nothing except your own understanding.
"""

import jax, jax.numpy as jnp
import numpy as np

NUM_USERS = 1000000
NUM_ITEMS = 1000000
EMBED_DIM = 64
BATCH = 16384

def _xavier_uniform(key, shape):
    fan_in, fan_out = shape[0], shape[1]
    a = float(np.sqrt(6.0 / (fan_in + fan_out)))
    return jax.random.uniform(key, shape, dtype=jnp.float32, minval=-a, maxval=a)

def setup_inputs(seed: int = 0) -> dict:
    key = jax.random.key(seed)
    k1, k2, k3, k4, k5 = jax.random.split(key, 5)
    users = jax.random.randint(k1, (BATCH,), 0, NUM_USERS, dtype=jnp.int64 if jax.config.jax_enable_x64 else jnp.int32)
    pos_items = jax.random.randint(k2, (BATCH,), 0, NUM_ITEMS, dtype=jnp.int64 if jax.config.jax_enable_x64 else jnp.int32)
    neg_items = jax.random.randint(k3, (BATCH,), 0, NUM_ITEMS, dtype=jnp.int64 if jax.config.jax_enable_x64 else jnp.int32)
    user_table = _xavier_uniform(k4, (NUM_USERS, EMBED_DIM))
    item_table = _xavier_uniform(k5, (NUM_ITEMS, EMBED_DIM))
    return {"users": users, "pos_items": pos_items, "neg_items": neg_items,
            "user_table": user_table, "item_table": item_table}

def reference(users, pos_items, neg_items, user_table, item_table):
    user_emb = jnp.take(user_table, users, axis=0)
    pos_emb = jnp.take(item_table, pos_items, axis=0)
    neg_emb = jnp.take(item_table, neg_items, axis=0)
    pos_scores = jnp.sum(user_emb * pos_emb, axis=-1)
    neg_scores = jnp.sum(user_emb * neg_emb, axis=-1)
    loss = -jnp.mean(jax.nn.log_sigmoid(pos_scores - neg_scores))
    reg_loss = (jnp.sum(user_emb ** 2) + jnp.sum(pos_emb ** 2) + jnp.sum(neg_emb ** 2)) / users.shape[0]
    return loss + 1e-05 * reg_loss

if __name__ == "__main__":
    import jax
    _d = setup_inputs()
    print(jax.jit(kernel)(*tuple(_d.values())))

</pallas_src>

<mosaic_0001>
#map = affine_map<(d0, d1) -> (0)>
#map1 = affine_map<(d0, d1) -> (0, 0)>
module attributes {stable_mosaic.version = 14 : i64} {
  func.func @_sc_body(%arg0: i32, %arg1: i32, %arg2: memref<16384xi32, #tpu.memory_space<hbm>>, %arg3: memref<16384xi32, #tpu.memory_space<hbm>>, %arg4: memref<16384xi32, #tpu.memory_space<hbm>>, %arg5: memref<64x1000000xf32, #tpu.memory_space<hbm>>, %arg6: memref<64x1000000xf32, #tpu.memory_space<hbm>>, %arg7: memref<4096xf32, #tpu.memory_space<hbm>>, %arg8: memref<4096xf32, #tpu.memory_space<hbm>>, %arg9: memref<32768xf32, #tpu.memory_space<hbm>>, %arg10: memref<512xf32, #tpu.memory_space<hbm>>, %arg11: memref<333312xf32, #tpu.memory_space<vmem_shared>>, %arg12: memref<333312xf32, #tpu.memory_space<vmem_shared>>, %arg13: memref<333312xf32, #tpu.memory_space<vmem_shared>>, %arg14: memref<1024xi32, #tpu.memory_space<vmem>>, %arg15: memref<1024xi32, #tpu.memory_space<vmem>>, %arg16: memref<1024xi32, #tpu.memory_space<vmem>>, %arg17: memref<1024xi32, #tpu.memory_space<vmem>>, %arg18: memref<1024xi32, #tpu.memory_space<vmem>>, %arg19: memref<1024xi32, #tpu.memory_space<vmem>>, %arg20: memref<1024xi32, #tpu.memory_space<vmem>>, %arg21: memref<1024xi32, #tpu.memory_space<vmem>>, %arg22: memref<1024xi32, #tpu.memory_space<vmem>>, %arg23: memref<1024xi32, #tpu.memory_space<vmem>>, %arg24: memref<1024xi32, #tpu.memory_space<vmem>>, %arg25: memref<1024xi32, #tpu.memory_space<vmem>>, %arg26: memref<1024xf32, #tpu.memory_space<vmem>>, %arg27: memref<1024xf32, #tpu.memory_space<vmem>>, %arg28: memref<1024xf32, #tpu.memory_space<vmem>>, %arg29: memref<1024xf32, #tpu.memory_space<vmem>>, %arg30: memref<16xf32, #tpu.memory_space<vmem>>, %arg31: memref<4096xf32, #tpu.memory_space<vmem>>, %arg32: memref<4096xf32, #tpu.memory_space<vmem>>, %arg33: memref<!tpu.dma_semaphore, #tpu.memory_space<semaphore_mem>>, %arg34: memref<!tpu.dma_semaphore, #tpu.memory_space<semaphore_mem>>, %arg35: memref<!tpu.dma_semaphore, #tpu.memory_space<semaphore_mem>>, %arg36: memref<!tpu.dma_semaphore, #tpu.memory_space<semaphore_mem>>) attributes {dimension_semantics = [#tpu.dimension_semantics<core_parallel>, #tpu.dimension_semantics<subcore_parallel>], iteration_bounds = array<i64: 2, 16>, scalar_prefetch = 0 : i64, scratch_operands = 26 : i64, tpu.core_type = #tpu.core_type<sc_vector_subcore>, window_params = [{transform_indices = #map}, {transform_indices = #map}, {transform_indices = #map}, {transform_indices = #map1}, {transform_indices = #map1}, {transform_indices = #map}, {transform_indices = #map}, {transform_indices = #map}, {transform_indices = #map}]} {
    %mul3A = arith.constant 1024 : i32
    %mul3A_0 = arith.muli %arg1, %mul3A : i32
    %mul3A_1 = arith.constant 32 : i32
    %mul3A_2 = arith.muli %arg0, %mul3A_1 : i32
    "tpu.region"() ({
      %run_scoped3A = tpu.sem_alloc : memref<!tpu.dma_semaphore, #tpu.memory_space<semaphore_mem>>
      %dma_start3A = tpu.memref_slice %arg2[%mul3A_0] : memref<16384xi32, #tpu.memory_space<hbm>> -> memref<1024xi32, #tpu.memory_space<hbm>>
      %dma_start3A_26 = tpu.memref_slice %arg2[%mul3A_0] : memref<16384xi32, #tpu.memory_space<hbm>> -> memref<1024xi32, #tpu.memory_space<hbm>>
      tpu.enqueue_dma source(%dma_start3A_26 : memref<1024xi32, #tpu.memory_space<hbm>>) target(%arg14 : memref<1024xi32, #tpu.memory_space<vmem>>) target_semaphore(%run_scoped3A : memref<!tpu.dma_semaphore, #tpu.memory_space<semaphore_mem>>)
      %dma_wait3A = tpu.memref_slice %arg2[%mul3A_0] : memref<16384xi32, #tpu.memory_space<hbm>> -> memref<1024xi32, #tpu.memory_space<hbm>>
      %dma_wait3A_27 = tpu.memref_slice %arg2[%mul3A_0] : memref<16384xi32, #tpu.memory_space<hbm>> -> memref<1024xi32, #tpu.memory_space<hbm>>
      tpu.wait_dma2 semaphore(%run_scoped3A : memref<!tpu.dma_semaphore, #tpu.memory_space<semaphore_mem>>) src(%dma_wait3A_27 : memref<1024xi32, #tpu.memory_space<hbm>>) dst(%arg14 : memref<1024xi32, #tpu.memory_space<vmem>>)
      tpu.yield
    }) : () -> ()
    "tpu.region"() ({
      %run_scoped3A = tpu.sem_alloc : memref<!tpu.dma_semaphore, #tpu.memory_space<semaphore_mem>>
      %dma_start3A = tpu.memref_slice %arg3[%mul3A_0] : memref<16384xi32, #tpu.memory_space<hbm>> -> memref<1024xi32, #tpu.memory_space<hbm>>
      %dma_start3A_26 = tpu.memref_slice %arg3[%mul3A_0] : memref<16384xi32, #tpu.memory_space<hbm>> -> memref<1024xi32, #tpu.memory_space<hbm>>
      tpu.enqueue_dma source(%dma_start3A_26 : memref<1024xi32, #tpu.memory_space<hbm>>) target(%arg15 : memref<1024xi32, #tpu.memory_space<vmem>>) target_semaphore(%run_scoped3A : memref<!tpu.dma_semaphore, #tpu.memory_space<semaphore_mem>>)
      %dma_wait3A = tpu.memref_slice %arg3[%mul3A_0] : memref<16384xi32, #tpu.memory_space<hbm>> -> memref<1024xi32, #tpu.memory_space<hbm>>
      %dma_wait3A_27 = tpu.memref_slice %arg3[%mul3A_0] : memref<16384xi32, #tpu.memory_space<hbm>> -> memref<1024xi32, #tpu.memory_space<hbm>>
      tpu.wait_dma2 semaphore(%run_scoped3A : memref<!tpu.dma_semaphore, #tpu.memory_space<semaphore_mem>>) src(%dma_wait3A_27 : memref<1024xi32, #tpu.memory_space<hbm>>) dst(%arg15 : memref<1024xi32, #tpu.memory_space<vmem>>)
      tpu.yield
    }) : () -> ()
    "tpu.region"() ({
      %run_scoped3A = tpu.sem_alloc : memref<!tpu.dma_semaphore, #tpu.memory_space<semaphore_mem>>
      %dma_start3A = tpu.memref_slice %arg4[%mul3A_0] : memref<16384xi32, #tpu.memory_space<hbm>> -> memref<1024xi32, #tpu.memory_space<hbm>>
      %dma_start3A_26 = tpu.memref_slice %arg4[%mul3A_0] : memref<16384xi32, #tpu.memory_space<hbm>> -> memref<1024xi32, #tpu.memory_space<hbm>>
      tpu.enqueue_dma source(%dma_start3A_26 : memref<1024xi32, #tpu.memory_space<hbm>>) target(%arg16 : memref<1024xi32, #tpu.memory_space<vmem>>) target_semaphore(%run_scoped3A : memref<!tpu.dma_semaphore, #tpu.memory_space<semaphore_mem>>)
      %dma_wait3A = tpu.memref_slice %arg4[%mul3A_0] : memref<16384xi32, #tpu.memory_space<hbm>> -> memref<1024xi32, #tpu.memory_space<hbm>>
      %dma_wait3A_27 = tpu.memref_slice %arg4[%mul3A_0] : memref<16384xi32, #tpu.memory_space<hbm>> -> memref<1024xi32, #tpu.memory_space<hbm>>
      tpu.wait_dma2 semaphore(%run_scoped3A : memref<!tpu.dma_semaphore, #tpu.memory_space<semaphore_mem>>) src(%dma_wait3A_27 : memref<1024xi32, #tpu.memory_space<hbm>>) dst(%arg16 : memref<1024xi32, #tpu.memory_space<vmem>>)
      tpu.yield
    }) : () -> ()
    "tpu.region"() ({
      %run_scoped3A = tpu.sem_alloc : memref<!tpu.dma_semaphore, #tpu.memory_space<semaphore_mem>>
      tpu.enqueue_dma source(%arg7 : memref<4096xf32, #tpu.memory_space<hbm>>) target(%arg31 : memref<4096xf32, #tpu.memory_space<vmem>>) target_semaphore(%run_scoped3A : memref<!tpu.dma_semaphore, #tpu.memory_space<semaphore_mem>>)
      tpu.wait_dma2 semaphore(%run_scoped3A : memref<!tpu.dma_semaphore, #tpu.memory_space<semaphore_mem>>) src(%arg7 : memref<4096xf32, #tpu.memory_space<hbm>>) dst(%arg31 : memref<4096xf32, #tpu.memory_space<vmem>>)
      tpu.yield
    }) : () -> ()
    "tpu.region"() ({
      %run_scoped3A = tpu.sem_alloc : memref<!tpu.dma_semaphore, #tpu.memory_space<semaphore_mem>>
      tpu.enqueue_dma source(%arg8 : memref<4096xf32, #tpu.memory_space<hbm>>) target(%arg32 : memref<4096xf32, #tpu.memory_space<vmem>>) target_semaphore(%run_scoped3A : memref<!tpu.dma_semaphore, #tpu.memory_space<semaphore_mem>>)
      tpu.wait_dma2 semaphore(%run_scoped3A : memref<!tpu.dma_semaphore, #tpu.memory_space<semaphore_mem>>) src(%arg8 : memref<4096xf32, #tpu.memory_space<hbm>>) dst(%arg32 : memref<4096xf32, #tpu.memory_space<vmem>>)
      tpu.yield
    }) : () -> ()
    %scan3A = arith.constant 0 : i32
    %scan3A_3 = arith.constant 0 : i32
    %scan3A_4 = arith.constant 64 : i32
    %scan3A_5 = arith.addi %scan3A_3, %scan3A_4 : i32
    %scan3A_6 = arith.constant 1 : i32
    %scan3A_7 = scf.for %scan3A_26 = %scan3A_3 to %scan3A_5 step %scan3A_6 iter_args(%scan3A_27 = %scan3A) -> (i32)  : i32 {
      %mul3A_28 = arith.constant 16 : i32
      %mul3A_29 = arith.muli %scan3A_26, %mul3A_28 : i32
      %get3A = arith.index_cast %mul3A_29 : i32 to index
      %get3A_30 = tpu.vector_load %arg14[%get3A] {strides = array<i32>} : memref<1024xi32, #tpu.memory_space<vmem>>, vector<16xi32>,
      %get3A_31 = arith.index_cast %mul3A_29 : i32 to index
      %get3A_32 = tpu.vector_load %arg15[%get3A_31] {strides = array<i32>} : memref<1024xi32, #tpu.memory_space<vmem>>, vector<16xi32>,
      %get3A_33 = arith.index_cast %mul3A_29 : i32 to index
      %get3A_34 = tpu.vector_load %arg16[%get3A_33] {strides = array<i32>} : memref<1024xi32, #tpu.memory_space<vmem>>, vector<16xi32>,
      %ge3A = arith.constant 0 : i32
      %ge3A_35 = vector.broadcast %ge3A : i32 to vector<16xi32>
      %ge3A_36 = arith.cmpi sge, %get3A_30, %ge3A_35 : vector<16xi32>
      %lt3A = arith.constant 333312 : i32
      %lt3A_37 = vector.broadcast %lt3A : i32 to vector<16xi32>
      %lt3A_38 = arith.cmpi slt, %get3A_30, %lt3A_37 : vector<16xi32>
      %and3A = arith.andi %ge3A_36, %lt3A_38 : vector<16xi1>
      %sub3A = arith.constant 0 : i32
      %sub3A_39 = vector.broadcast %sub3A : i32 to vector<16xi32>
      %sub3A_40 = arith.subi %get3A_30, %sub3A_39 : vector<16xi32>
      %jit3A = arith.constant 2147483647 : i32
      %broadcast_in_dim3A_41 = vector.broadcast %jit3A : i32 to vector<16xi32>
      %select_n3A = arith.select %and3A, %sub3A_40, %broadcast_in_dim3A_41 : vector<16xi1>, vector<16xi32>
      %swap3A_42 = arith.index_cast %mul3A_29 : i32 to index
      %swap3A_43 = tpu.vector_load %arg17[%swap3A_42] {strides = array<i32>} : memref<1024xi32, #tpu.memory_space<vmem>>, vector<16xi32>,
      tpu.vector_store %arg17[%swap3A_42], %select_n3A {strides = array<i32>} : memref<1024xi32, #tpu.memory_space<vmem>>, vector<16xi32>,
      %ge3A_44 = arith.constant 333312 : i32
      %ge3A_45 = vector.broadcast %ge3A_44 : i32 to vector<16xi32>
      %ge3A_46 = arith.cmpi sge, %get3A_30, %ge3A_45 : vector<16xi32>
      %lt3A_47 = arith.constant 666624 : i32
      %lt3A_48 = vector.broadcast %lt3A_47 : i32 to vector<16xi32>
      %lt3A_49 = arith.cmpi slt, %get3A_30, %lt3A_48 : vector<16xi32>
      %and3A_50 = arith.andi %ge3A_46, %lt3A_49 : vector<16xi1>
      %sub3A_51 = arith.constant 333312 : i32
      %sub3A_52 = vector.broadcast %sub3A_51 : i32 to vector<16xi32>
      %sub3A_53 = arith.subi %get3A_30, %sub3A_52 : vector<16xi32>
      %jit3A_54 = arith.constant 2147483647 : i32
      %broadcast_in_dim3A_55 = vector.broadcast %jit3A_54 : i32 to vector<16xi32>
      %select_n3A_56 = arith.select %and3A_50, %sub3A_53, %broadcast_in_dim3A_55 : vector<16xi1>, vector<16xi32>
      %swap3A_57 = arith.index_cast %mul3A_29 : i32 to index
      %swap3A_58 = tpu.vector_load %arg18[%swap3A_57] {strides = array<i32>} : memref<1024xi32, #tpu.memory_space<vmem>>, vector<16xi32>,
      tpu.vector_store %arg18[%swap3A_57], %select_n3A_56 {strides = array<i32>} : memref<1024xi32, #tpu.memory_space<vmem>>, vector<16xi32>,
      %ge3A_59 = arith.constant 666624 : i32
      %ge3A_60 = vector.broadcast %ge3A_59 : i32 to vector<16xi32>
      %ge3A_61 = arith.cmpi sge, %get3A_30, %ge3A_60 : vector<16xi32>
      %lt3A_62 = arith.constant 999936 : i32
      %lt3A_63 = vector.broadcast %lt3A_62 : i32 to vector<16xi32>
      %lt3A_64 = arith.cmpi slt, %get3A_30, %lt3A_63 : vector<16xi32>
      %and3A_65 = arith.andi %ge3A_61, %lt3A_64 : vector<16xi1>
      %sub3A_66 = arith.constant 666624 : i32
      %sub3A_67 = vector.broadcast %sub3A_66 : i32 to vector<16xi32>
      %sub3A_68 = arith.subi %get3A_30, %sub3A_67 : vector<16xi32>
      %jit3A_69 = arith.constant 2147483647 : i32
      %broadcast_in_dim3A_70 = vector.broadcast %jit3A_69 : i32 to vector<16xi32>
      %select_n3A_71 = arith.select %and3A_65, %sub3A_68, %broadcast_in_dim3A_70 : vector<16xi1>, vector<16xi32>
      %swap3A_72 = arith.index_cast %mul3A_29 : i32 to index
      %swap3A_73 = tpu.vector_load %arg19[%swap3A_72] {strides = array<i32>} : memref<1024xi32, #tpu.memory_space<vmem>>, vector<16xi32>,
      tpu.vector_store %arg19[%swap3A_72], %select_n3A_71 {strides = array<i32>} : memref<1024xi32, #tpu.memory_space<vmem>>, vector<16xi32>,
      %ge3A_74 = arith.constant 0 : i32
      %ge3A_75 = vector.broadcast %ge3A_74 : i32 to vector<16xi32>
      %ge3A_76 = arith.cmpi sge, %get3A_32, %ge3A_75 : vector<16xi32>
      %lt3A_77 = arith.constant 333312 : i32
      %lt3A_78 = vector.broadcast %lt3A_77 : i32 to vector<16xi32>
      %lt3A_79 = arith.cmpi slt, %get3A_32, %lt3A_78 : vector<16xi32>
      %and3A_80 = arith.andi %ge3A_76, %lt3A_79 : vector<16xi1>
      %sub3A_81 = arith.constant 0 : i32
      %sub3A_82 = vector.broadcast %sub3A_81 : i32 to vector<16xi32>
      %sub3A_83 = arith.subi %get3A_32, %sub3A_82 : vector<16xi32>
      %jit3A_84 = arith.constant 2147483647 : i32
      %broadcast_in_dim3A_85 = vector.broadcast %jit3A_84 : i32 to vector<16xi32>
      %select_n3A_86 = arith.select %and3A_80, %sub3A_83, %broadcast_in_dim3A_85 : vector<16xi1>, vector<16xi32>
      %swap3A_87 = arith.index_cast %mul3A_29 : i32 to index
      %swap3A_88 = tpu.vector_load %arg20[%swap3A_87] {strides = array<i32>} : memref<1024xi32, #tpu.memory_space<vmem>>, vector<16xi32>,
      tpu.vector_store %arg20[%swap3A_87], %select_n3A_86 {strides = array<i32>} : memref<1024xi32, #tpu.memory_space<vmem>>, vector<16xi32>,
      %ge3A_89 = arith.constant 333312 : i32
      %ge3A_90 = vector.broadcast %ge3A_89 : i32 to vector<16xi32>
      %ge3A_91 = arith.cmpi sge, %get3A_32, %ge3A_90 : vector<16xi32>
      %lt3A_92 = arith.constant 666624 : i32
      %lt3A_93 = vector.broadcast %lt3A_92 : i32 to vector<16xi32>
      %lt3A_94 = arith.cmpi slt, %get3A_32, %lt3A_93 : vector<16xi32>
      %and3A_95 = arith.andi %ge3A_91, %lt3A_94 : vector<16xi1>
      %sub3A_96 = arith.constant 333312 : i32
      %sub3A_97 = vector.broadcast %sub3A_96 : i32 to vector<16xi32>
      %sub3A_98 = arith.subi %get3A_32, %sub3A_97 : vector<16xi32>
      %jit3A_99 = arith.constant 2147483647 : i32
      %broadcast_in_dim3A_100 = vector.broadcast %jit3A_99 : i32 to vector<16xi32>
      %select_n3A_101 = arith.select %and3A_95, %sub3A_98, %broadcast_in_dim3A_100 : vector<16xi1>, vector<16xi32>
      %swap3A_102 = arith.index_cast %mul3A_29 : i32 to index
      %swap3A_103 = tpu.vector_load %arg21[%swap3A_102] {strides = array<i32>} : memref<1024xi32, #tpu.memory_space<vmem>>, vector<16xi32>,
      tpu.vector_store %arg21[%swap3A_102], %select_n3A_101 {strides = array<i32>} : memref<1024xi32, #tpu.memory_space<vmem>>, vector<16xi32>,
      %ge3A_104 = arith.constant 666624 : i32
      %ge3A_105 = vector.broadcast %ge3A_104 : i32 to vector<16xi32>
      %ge3A_106 = arith.cmpi sge, %get3A_32, %ge3A_105 : vector<16xi32>
      %lt3A_107 = arith.constant 999936 : i32
      %lt3A_108 = vector.broadcast %lt3A_107 : i32 to vector<16xi32>
      %lt3A_109 = arith.cmpi slt, %get3A_32, %lt3A_108 : vector<16xi32>
      %and3A_110 = arith.andi %ge3A_106, %lt3A_109 : vector<16xi1>
      %sub3A_111 = arith.constant 666624 : i32
      %sub3A_112 = vector.broadcast %sub3A_111 : i32 to vector<16xi32>
      %sub3A_113 = arith.subi %get3A_32, %sub3A_112 : vector<16xi32>
      %jit3A_114 = arith.constant 2147483647 : i32
      %broadcast_in_dim3A_115 = vector.broadcast %jit3A_114 : i32 to vector<16xi32>
      %select_n3A_116 = arith.select %and3A_110, %sub3A_113, %broadcast_in_dim3A_115 : vector<16xi1>, vector<16xi32>
      %swap3A_117 = arith.index_cast %mul3A_29 : i32 to index
      %swap3A_118 = tpu.vector_load %arg22[%swap3A_117] {strides = array<i32>} : memref<1024xi32, #tpu.memory_space<vmem>>, vector<16xi32>,
      tpu.vector_store %arg22[%swap3A_117], %select_n3A_116 {strides = array<i32>} : memref<1024xi32, #tpu.memory_space<vmem>>, vector<16xi32>,
      %ge3A_119 = arith.constant 0 : i32
      %ge3A_120 = vector.broadcast %ge3A_119 : i32 to vector<16xi32>
      %ge3A_121 = arith.cmpi sge, %get3A_34, %ge3A_120 : vector<16xi32>
      %lt3A_122 = arith.constant 333312 : i32
      %lt3A_123 = vector.broadcast %lt3A_122 : i32 to vector<16xi32>
      %lt3A_124 = arith.cmpi slt, %get3A_34, %lt3A_123 : vector<16xi32>
      %and3A_125 = arith.andi %ge3A_121, %lt3A_124 : vector<16xi1>
      %sub3A_126 = arith.constant 0 : i32
      %sub3A_127 = vector.broadcast %sub3A_126 : i32 to vector<16xi32>
      %sub3A_128 = arith.subi %get3A_34, %sub3A_127 : vector<16xi32>
      %jit3A_129 = arith.constant 2147483647 : i32
      %broadcast_in_dim3A_130 = vector.broadcast %jit3A_129 : i32 to vector<16xi32>
      %select_n3A_131 = arith.select %and3A_125, %sub3A_128, %broadcast_in_dim3A_130 : vector<16xi1>, vector<16xi32>
      %swap3A_132 = arith.index_cast %mul3A_29 : i32 to index
      %swap3A_133 = tpu.vector_load %arg23[%swap3A_132] {strides = array<i32>} : memref<1024xi32, #tpu.memory_space<vmem>>, vector<16xi32>,
      tpu.vector_store %arg23[%swap3A_132], %select_n3A_131 {strides = array<i32>} : memref<1024xi32, #tpu.memory_space<vmem>>, vector<16xi32>,
      %ge3A_134 = arith.constant 333312 : i32
      %ge3A_135 = vector.broadcast %ge3A_134 : i32 to vector<16xi32>
      %ge3A_136 = arith.cmpi sge, %get3A_34, %ge3A_135 : vector<16xi32>
      %lt3A_137 = arith.constant 666624 : i32
      %lt3A_138 = vector.broadcast %lt3A_137 : i32 to vector<16xi32>
      %lt3A_139 = arith.cmpi slt, %get3A_34, %lt3A_138 : vector<16xi32>
      %and3A_140 = arith.andi %ge3A_136, %lt3A_139 : vector<16xi1>
      %sub3A_141 = arith.constant 333312 : i32
      %sub3A_142 = vector.broadcast %sub3A_141 : i32 to vector<16xi32>
      %sub3A_143 = arith.subi %get3A_34, %sub3A_142 : vector<16xi32>
      %jit3A_144 = arith.constant 2147483647 : i32
      %broadcast_in_dim3A_145 = vector.broadcast %jit3A_144 : i32 to vector<16xi32>
      %select_n3A_146 = arith.select %and3A_140, %sub3A_143, %broadcast_in_dim3A_145 : vector<16xi1>, vector<16xi32>
      %swap3A_147 = arith.index_cast %mul3A_29 : i32 to index
      %swap3A_148 = tpu.vector_load %arg24[%swap3A_147] {strides = array<i32>} : memref<1024xi32, #tpu.memory_space<vmem>>, vector<16xi32>,
      tpu.vector_store %arg24[%swap3A_147], %select_n3A_146 {strides = array<i32>} : memref<1024xi32, #tpu.memory_space<vmem>>, vector<16xi32>,
      %ge3A_149 = arith.constant 666624 : i32
      %ge3A_150 = vector.broadcast %ge3A_149 : i32 to vector<16xi32>
      %ge3A_151 = arith.cmpi sge, %get3A_34, %ge3A_150 : vector<16xi32>
      %lt3A_152 = arith.constant 999936 : i32
      %lt3A_153 = vector.broadcast %lt3A_152 : i32 to vector<16xi32>
      %lt3A_154 = arith.cmpi slt, %get3A_34, %lt3A_153 : vector<16xi32>
      %and3A_155 = arith.andi %ge3A_151, %lt3A_154 : vector<16xi1>
      %sub3A_156 = arith.constant 666624 : i32
      %sub3A_157 = vector.broadcast %sub3A_156 : i32 to vector<16xi32>
      %sub3A_158 = arith.subi %get3A_34, %sub3A_157 : vector<16xi32>
      %jit3A_159 = arith.constant 2147483647 : i32
      %broadcast_in_dim3A_160 = vector.broadcast %jit3A_159 : i32 to vector<16xi32>
      %select_n3A_161 = arith.select %and3A_155, %sub3A_158, %broadcast_in_dim3A_160 : vector<16xi1>, vector<16xi32>
      %swap3A_162 = arith.index_cast %mul3A_29 : i32 to index
      %swap3A_163 = tpu.vector_load %arg25[%swap3A_162] {strides = array<i32>} : memref<1024xi32, #tpu.memory_space<vmem>>, vector<16xi32>,
      tpu.vector_store %arg25[%swap3A_162], %select_n3A_161 {strides = array<i32>} : memref<1024xi32, #tpu.memory_space<vmem>>, vector<16xi32>,
      %broadcast_in_dim3A_164 = arith.constant 0.000000e+00 : f32
      %broadcast_in_dim3A_165 = vector.broadcast %broadcast_in_dim3A_164 : f32 to vector<16xf32>
      %swap3A_166 = arith.index_cast %mul3A_29 : i32 to index
      %swap3A_167 = tpu.vector_load %arg29[%swap3A_166] {strides = array<i32>} : memref<1024xf32, #tpu.memory_space<vmem>>, vector<16xf32>,
      tpu.vector_store %arg29[%swap3A_166], %broadcast_in_dim3A_165 {strides = array<i32>} : memref<1024xf32, #tpu.memory_space<vmem>>, vector<16xf32>,
      %scan3A_168 = arith.constant 0 : i32
      scf.yield %scan3A_168 : i32
    }
    %scan3A_8 = arith.constant 64 : i32
    %eq3A = arith.constant 0 : i32
    %eq3A_9 = arith.cmpi eq, %arg1, %eq3A : i32
    %convert_element_type3A = arith.extui %eq3A_9 : i1 to i32
    %cond3A = arith.constant 0 : i32
    %cond3A_10 = arith.cmpi ne, %convert_element_type3A, %cond3A : i32
    scf.if %cond3A_10 {
      %dma_start3A = arith.constant 0 : i32
      %dma_start3A_26 = tpu.memref_slice %arg11[%dma_start3A] : memref<333312xf32, #tpu.memory_space<vmem_shared>> -> memref<166656xf32, #tpu.memory_space<vmem_shared>>
      %dma_start3A_27 = arith.constant 0 : i32
      %dma_start3A_28 = tpu.memref_slice %arg5[%mul3A_2, %dma_start3A_27] : memref<64x1000000xf32, #tpu.memory_space<hbm>> -> memref<1x166656xf32, #tpu.memory_space<hbm>>
      %dma_start3A_29 = tpu.memref_squeeze %dma_start3A_28 : memref<1x166656xf32, #tpu.memory_space<hbm>> -> memref<166656xf32, #tpu.memory_space<hbm>>
      tpu.enqueue_dma source(%dma_start3A_29 : memref<166656xf32, #tpu.memory_space<hbm>>) target(%dma_start3A_26 : memref<166656xf32, #tpu.memory_space<vmem_shared>>) target_semaphore(%arg33 : memref<!tpu.dma_semaphore, #tpu.memory_space<semaphore_mem>>)
      %dma_start3A_30 = arith.constant 166656 : i32
      %dma_start3A_31 = tpu.memref_slice %arg11[%dma_start3A_30] : memref<333312xf32, #tpu.memory_space<vmem_shared>> -> memref<166656xf32, #tpu.memory_space<vmem_shared>>
      %dma_start3A_32 = arith.constant 166656 : i32
      %dma_start3A_33 = tpu.memref_slice %arg5[%mul3A_2, %dma_start3A_32] : memref<64x1000000xf32, #tpu.memory_space<hbm>> -> memref<1x166656xf32, #tpu.memory_space<hbm>>
      %dma_start3A_34 = tpu.memref_squeeze %dma_start3A_33 : memref<1x166656xf32, #tpu.memory_space<hbm>> -> memref<166656xf32, #tpu.memory_space<hbm>>
      tpu.enqueue_dma source(%dma_start3A_34 : memref<166656xf32, #tpu.memory_space<hbm>>) target(%dma_start3A_31 : memref<166656xf32, #tpu.memory_space<vmem_shared>>) target_semaphore(%arg33 : memref<!tpu.dma_semaphore, #tpu.memory_space<semaphore_mem>>)
      %dma_start3A_35 = arith.constant 0 : i32
      %dma_start3A_36 = tpu.memref_slice %arg12[%dma_start3A_35] : memref<333312xf32, #tpu.memory_space<vmem_shared>> -> memref<166656xf32, #tpu.memory_space<vmem_shared>>
      %dma_start3A_37 = arith.constant 333312 : i32
      %dma_start3A_38 = tpu.memref_slice %arg5[%mul3A_2, %dma_start3A_37] : memref<64x1000000xf32, #tpu.memory_space<hbm>> -> memref<1x166656xf32, #tpu.memory_space<hbm>>
      %dma_start3A_39 = tpu.memref_squeeze %dma_start3A_38 : memref<1x166656xf32, #tpu.memory_space<hbm>> -> memref<166656xf32, #tpu.memory_space<hbm>>
      tpu.enqueue_dma source(%dma_start3A_39 : memref<166656xf32, #tpu.memory_space<hbm>>) target(%dma_start3A_36 : memref<166656xf32, #tpu.memory_space<vmem_shared>>) target_semaphore(%arg34 : memref<!tpu.dma_semaphore, #tpu.memory_space<semaphore_mem>>)
      %dma_start3A_40 = arith.constant 166656 : i32
      %dma_start3A_41 = tpu.memref_slice %arg12[%dma_start3A_40] : memref<333312xf32, #tpu.memory_space<vmem_shared>> -> memref<166656xf32, #tpu.memory_space<vmem_shared>>
      %dma_start3A_42 = arith.constant 499968 : i32
      %dma_start3A_43 = tpu.memref_slice %arg5[%mul3A_2, %dma_start3A_42] : memref<64x1000000xf32, #tpu.memory_space<hbm>> -> memref<1x166656xf32, #tpu.memory_space<hbm>>
      %dma_start3A_44 = tpu.memref_squeeze %dma_start3A_43 : memref<1x166656xf32, #tpu.memory_space<hbm>> -> memref<166656xf32, #tpu.memory_space<hbm>>
      tpu.enqueue_dma source(%dma_start3A_44 : memref<166656xf32, #tpu.memory_space<hbm>>) target(%dma_start3A_41 : memref<166656xf32, #tpu.memory_space<vmem_shared>>) target_semaphore(%arg34 : memref<!tpu.dma_semaphore, #tpu.memory_space<semaphore_mem>>)
      %dma_start3A_45 = arith.constant 0 : i32
      %dma_start3A_46 = tpu.memref_slice %arg13[%dma_start3A_45] : memref<333312xf32, #tpu.memory_space<vmem_shared>> -> memref<166656xf32, #tpu.memory_space<vmem_shared>>
      %dma_start3A_47 = arith.constant 666624 : i32
      %dma_start3A_48 = tpu.memref_slice %arg5[%mul3A_2, %dma_start3A_47] : memref<64x1000000xf32, #tpu.memory_space<hbm>> -> memref<1x166656xf32, #tpu.memory_space<hbm>>
      %dma_start3A_49 = tpu.memref_squeeze %dma_start3A_48 : memref<1x166656xf32, #tpu.memory_space<hbm>> -> memref<166656xf32, #tpu.memory_space<hbm>>
      tpu.enqueue_dma source(%dma_start3A_49 : memref<166656xf32, #tpu.memory_space<hbm>>) target(%dma_start3A_46 : memref<166656xf32, #tpu.memory_space<vmem_shared>>) target_semaphore(%arg35 : memref<!tpu.dma_semaphore, #tpu.memory_space<semaphore_mem>>)
      %dma_start3A_50 = arith.constant 166656 : i32
      %dma_start3A_51 = tpu.memref_slice %arg13[%dma_start3A_50] : memref<333312xf32, #tpu.memory_space<vmem_shared>> -> memref<166656xf32, #tpu.memory_space<vmem_shared>>
      %dma_start3A_52 = arith.constant 833280 : i32
      %dma_start3A_53 = tpu.memref_slice %arg5[%mul3A_2, %dma_start3A_52] : memref<64x1000000xf32, #tpu.memory_space<hbm>> -> memref<1x166656xf32, #tpu.memory_space<hbm>>
      %dma_start3A_54 = tpu.memref_squeeze %dma_start3A_53 : memref<1x166656xf32, #tpu.memory_space<hbm>> -> memref<166656xf32, #tpu.memory_space<hbm>>
      tpu.enqueue_dma source(%dma_start3A_54 : memref<166656xf32, #tpu.memory_space<hbm>>) target(%dma_start3A_51 : memref<166656xf32, #tpu.memory_space<vmem_shared>>) target_semaphore(%arg35 : memref<!tpu.dma_semaphore, #tpu.memory_space<semaphore_mem>>)
    } else {
    }
    %broadcast_in_dim3A = arith.constant 0.000000e+00 : f32
    %broadcast_in_dim3A_11 = vector.broadcast %broadcast_in_dim3A : f32 to vector<16xf32>
    %scan3A_12 = arith.constant 0 : i32
    %scan3A_13 = arith.constant 32 : i32
    %scan3A_14 = arith.addi %scan3A_12, %scan3A_13 : i32
    %scan3A_15 = arith.constant 1 : i32
    %scan3A_16 = scf.for %scan3A_26 = %scan3A_12 to %scan3A_14 step %scan3A_15 iter_args(%scan3A_27 = %broadcast_in_dim3A_11) -> (vector<16xf32>)  : i32 {
      %add3A_28 = arith.addi %mul3A_2, %scan3A_26 : i32
      %eq3A_29 = arith.constant 0 : i32
      %eq3A_30 = arith.cmpi eq, %arg1, %eq3A_29 : i32
      %convert_element_type3A_31 = arith.extui %eq3A_30 : i1 to i32
      %cond3A_32 = arith.constant 0 : i32
      %cond3A_33 = arith.cmpi ne, %convert_element_type3A_31, %cond3A_32 : i32
      scf.if %cond3A_33 {
        %dma_wait3A_164 = arith.constant 0 : i32
        %dma_wait3A_165 = arith.constant 0 : i32
        %dma_wait3A_166 = tpu.memref_slice %arg5[%dma_wait3A_164, %dma_wait3A_165] : memref<64x1000000xf32, #tpu.memory_space<hbm>> -> memref<1x333312xf32, #tpu.memory_space<hbm>>
        %dma_wait3A_167 = tpu.memref_squeeze %dma_wait3A_166 : memref<1x333312xf32, #tpu.memory_space<hbm>> -> memref<333312xf32, #tpu.memory_space<hbm>>
        tpu.wait_dma2 semaphore(%arg33 : memref<!tpu.dma_semaphore, #tpu.memory_space<semaphore_mem>>) src(%dma_wait3A_167 : memref<333312xf32, #tpu.memory_space<hbm>>) dst(%arg11 : memref<333312xf32, #tpu.memory_space<vmem_shared>>)
      } else {
      }
      %barrier3A = arith.constant 0 : index
      tpu.barrier barrier_id(%barrier3A)
      %dma_start3A = arith.constant 0 : i32
      %dma_start3A_34 = tpu.memref_slice %arg11[%dma_start3A] : memref<333312xf32, #tpu.memory_space<vmem_shared>> -> memref<333312xf32, #tpu.memory_space<vmem_shared>>
      %dma_start3A_35 = arith.constant 2147483647 : i32
      tpu.enqueue_indirect_dma source(%dma_start3A_34 : memref<333312xf32, #tpu.memory_space<vmem_shared>>) target(%arg26 : memref<1024xf32, #tpu.memory_space<vmem>>) offsets(%arg17 : memref<1024xi32, #tpu.memory_space<vmem>>) offset_filter(%dma_start3A_35) semaphore(%arg36 : memref<!tpu.dma_semaphore, #tpu.memory_space<semaphore_mem>>)
      %dma_wait3A = arith.constant 0 : i32
      %dma_wait3A_36 = tpu.memref_slice %arg11[%dma_wait3A] : memref<333312xf32, #tpu.memory_space<vmem_shared>> -> memref<333312xf32, #tpu.memory_space<vmem_shared>>
      tpu.wait_indirect_dma semaphore(%arg36 : memref<!tpu.dma_semaphore, #tpu.memory_space<semaphore_mem>>) src(%dma_wait3A_36 : memref<333312xf32, #tpu.memory_space<vmem_shared>>) dst(%arg26 : memref<1024xf32, #tpu.memory_space<vmem>>)
      %barrier3A_37 = arith.constant 0 : index
      tpu.barrier barrier_id(%barrier3A_37)
      %eq3A_38 = arith.constant 0 : i32
      %eq3A_39 = arith.cmpi eq, %arg1, %eq3A_38 : i32
      %convert_element_type3A_40 = arith.extui %eq3A_39 : i1 to i32
      %cond3A_41 = arith.constant 0 : i32
      %cond3A_42 = arith.cmpi ne, %convert_element_type3A_40, %cond3A_41 : i32
      scf.if %cond3A_42 {
        %dma_start3A_164 = arith.constant 0 : i32
        %dma_start3A_165 = tpu.memref_slice %arg11[%dma_start3A_164] : memref<333312xf32, #tpu.memory_space<vmem_shared>> -> memref<166656xf32, #tpu.memory_space<vmem_shared>>
        %dma_start3A_166 = arith.constant 0 : i32
        %dma_start3A_167 = tpu.memref_slice %arg6[%add3A_28, %dma_start3A_166] : memref<64x1000000xf32, #tpu.memory_space<hbm>> -> memref<1x166656xf32, #tpu.memory_space<hbm>>
        %dma_start3A_168 = tpu.memref_squeeze %dma_start3A_167 : memref<1x166656xf32, #tpu.memory_space<hbm>> -> memref<166656xf32, #tpu.memory_space<hbm>>
        tpu.enqueue_dma source(%dma_start3A_168 : memref<166656xf32, #tpu.memory_space<hbm>>) target(%dma_start3A_165 : memref<166656xf32, #tpu.memory_space<vmem_shared>>) target_semaphore(%arg33 : memref<!tpu.dma_semaphore, #tpu.memory_space<semaphore_mem>>)
        %dma_start3A_169 = arith.constant 166656 : i32
        %dma_start3A_170 = tpu.memref_slice %arg11[%dma_start3A_169] : memref<333312xf32, #tpu.memory_space<vmem_shared>> -> memref<166656xf32, #tpu.memory_space<vmem_shared>>
        %dma_start3A_171 = arith.constant 166656 : i32
        %dma_start3A_172 = tpu.memref_slice %arg6[%add3A_28, %dma_start3A_171] : memref<64x1000000xf32, #tpu.memory_space<hbm>> -> memref<1x166656xf32, #tpu.memory_space<hbm>>
        %dma_start3A_173 = tpu.memref_squeeze %dma_start3A_172 : memref<1x166656xf32, #tpu.memory_space<hbm>> -> memref<166656xf32, #tpu.memory_space<hbm>>
        tpu.enqueue_dma source(%dma_start3A_173 : memref<166656xf32, #tpu.memory_space<hbm>>) target(%dma_start3A_170 : memref<166656xf32, #tpu.memory_space<vmem_shared>>) target_semaphore(%arg33 : memref<!tpu.dma_semaphore, #tpu.memory_space<semaphore_mem>>)
      } else {
      }
      %eq3A_43 = arith.constant 0 : i32
      %eq3A_44 = arith.cmpi eq, %arg1, %eq3A_43 : i32
      %convert_element_type3A_45 = arith.extui %eq3A_44 : i1 to i32
      %cond3A_46 = arith.constant 0 : i32
      %cond3A_47 = arith.cmpi ne, %convert_element_type3A_45, %cond3A_46 : i32
      scf.if %cond3A_47 {
        %dma_wait3A_164 = arith.constant 0 : i32
        %dma_wait3A_165 = arith.constant 0 : i32
        %dma_wait3A_166 = tpu.memref_slice %arg5[%dma_wait3A_164, %dma_wait3A_165] : memref<64x1000000xf32, #tpu.memory_space<hbm>> -> memref<1x333312xf32, #tpu.memory_space<hbm>>
        %dma_wait3A_167 = tpu.memref_squeeze %dma_wait3A_166 : memref<1x333312xf32, #tpu.memory_space<hbm>> -> memref<333312xf32, #tpu.memory_space<hbm>>
        tpu.wait_dma2 semaphore(%arg34 : memref<!tpu.dma_semaphore, #tpu.memory_space<semaphore_mem>>) src(%dma_wait3A_167 : memref<333312xf32, #tpu.memory_space<hbm>>) dst(%arg12 : memref<333312xf32, #tpu.memory_space<vmem_shared>>)
      } else {
      }
      %barrier3A_48 = arith.constant 0 : index
      tpu.barrier barrier_id(%barrier3A_48)
      %dma_start3A_49 = arith.constant 0 : i32
      %dma_start3A_50 = tpu.memref_slice %arg12[%dma_start3A_49] : memref<333312xf32, #tpu.memory_space<vmem_shared>> -> memref<333312xf32, #tpu.memory_space<vmem_shared>>
      %dma_start3A_51 = arith.constant 2147483647 : i32
      tpu.enqueue_indirect_dma source(%dma_start3A_50 : memref<333312xf32, #tpu.memory_space<vmem_shared>>) target(%arg26 : memref<1024xf32, #tpu.memory_space<vmem>>) offsets(%arg18 : memref<1024xi32, #tpu.memory_space<vmem>>) offset_filter(%dma_start3A_51) semaphore(%arg36 : memref<!tpu.dma_semaphore, #tpu.memory_space<semaphore_mem>>)
      %dma_wait3A_52 = arith.constant 0 : i32
      %dma_wait3A_53 = tpu.memref_slice %arg12[%dma_wait3A_52] : memref<333312xf32, #tpu.memory_space<vmem_shared>> -> memref<333312xf32, #tpu.memory_space<vmem_shared>>
      tpu.wait_indirect_dma semaphore(%arg36 : memref<!tpu.dma_semaphore, #tpu.memory_space<semaphore_mem>>) src(%dma_wait3A_53 : memref<333312xf32, #tpu.memory_space<vmem_shared>>) dst(%arg26 : memref<1024xf32, #tpu.memory_space<vmem>>)
      %barrier3A_54 = arith.constant 0 : index
      tpu.barrier barrier_id(%barrier3A_54)
      %eq3A_55 = arith.constant 0 : i32
      %eq3A_56 = arith.cmpi eq, %arg1, %eq3A_55 : i32
      %convert_element_type3A_57 = arith.extui %eq3A_56 : i1 to i32
      %cond3A_58 = arith.constant 0 : i32
      %cond3A_59 = arith.cmpi ne, %convert_element_type3A_57, %cond3A_58 : i32
      scf.if %cond3A_59 {
        %dma_start3A_164 = arith.constant 0 : i32
        %dma_start3A_165 = tpu.memref_slice %arg12[%dma_start3A_164] : memref<333312xf32, #tpu.memory_space<vmem_shared>> -> memref<166656xf32, #tpu.memory_space<vmem_shared>>
        %dma_start3A_166 = arith.constant 333312 : i32
        %dma_start3A_167 = tpu.memref_slice %arg6[%add3A_28, %dma_start3A_166] : memref<64x1000000xf32, #tpu.memory_space<hbm>> -> memref<1x166656xf32, #tpu.memory_space<hbm>>
        %dma_start3A_168 = tpu.memref_squeeze %dma_start3A_167 : memref<1x166656xf32, #tpu.memory_space<hbm>> -> memref<166656xf32, #tpu.memory_space<hbm>>
        tpu.enqueue_dma source(%dma_start3A_168 : memref<166656xf32, #tpu.memory_space<hbm>>) target(%dma_start3A_165 : memref<166656xf32, #tpu.memory_space<vmem_shared>>) target_semaphore(%arg34 : memref<!tpu.dma_semaphore, #tpu.memory_space<semaphore_mem>>)
        %dma_start3A_169 = arith.constant 166656 : i32
        %dma_start3A_170 = tpu.memref_slice %arg12[%dma_start3A_169] : memref<333312xf32, #tpu.memory_space<vmem_shared>> -> memref<166656xf32, #tpu.memory_space<vmem_shared>>
        %dma_start3A_171 = arith.constant 499968 : i32
        %dma_start3A_172 = tpu.memref_slice %arg6[%add3A_28, %dma_start3A_171] : memref<64x1000000xf32, #tpu.memory_space<hbm>> -> memref<1x166656xf32, #tpu.memory_space<hbm>>
        %dma_start3A_173 = tpu.memref_squeeze %dma_start3A_172 : memref<1x166656xf32, #tpu.memory_space<hbm>> -> memref<166656xf32, #tpu.memory_space<hbm>>
        tpu.enqueue_dma source(%dma_start3A_173 : memref<166656xf32, #tpu.memory_space<hbm>>) target(%dma_start3A_170 : memref<166656xf32, #tpu.memory_space<vmem_shared>>) target_semaphore(%arg34 : memref<!tpu.dma_semaphore, #tpu.memory_space<semaphore_mem>>)
      } else {
      }
      %eq3A_60 = arith.constant 0 : i32
      %eq3A_61 = arith.cmpi eq, %arg1, %eq3A_60 : i32
      %convert_element_type3A_62 = arith.extui %eq3A_61 : i1 to i32
      %cond3A_63 = arith.constant 0 : i32
      %cond3A_64 = arith.cmpi ne, %convert_element_type3A_62, %cond3A_63 : i32
      scf.if %cond3A_64 {
        %dma_wait3A_164 = arith.constant 0 : i32
        %dma_wait3A_165 = arith.constant 0 : i32
        %dma_wait3A_166 = tpu.memref_slice %arg5[%dma_wait3A_164, %dma_wait3A_165] : memref<64x1000000xf32, #tpu.memory_space<hbm>> -> memref<1x333312xf32, #tpu.memory_space<hbm>>
        %dma_wait3A_167 = tpu.memref_squeeze %dma_wait3A_166 : memref<1x333312xf32, #tpu.memory_space<hbm>> -> memref<333312xf32, #tpu.memory_space<hbm>>
        tpu.wait_dma2 semaphore(%arg35 : memref<!tpu.dma_semaphore, #tpu.memory_space<semaphore_mem>>) src(%dma_wait3A_167 : memref<333312xf32, #tpu.memory_space<hbm>>) dst(%arg13 : memref<333312xf32, #tpu.memory_space<vmem_shared>>)
      } else {
      }
      %barrier3A_65 = arith.constant 0 : index
      tpu.barrier barrier_id(%barrier3A_65)
      %dma_start3A_66 = arith.constant 0 : i32
      %dma_start3A_67 = tpu.memref_slice %arg13[%dma_start3A_66] : memref<333312xf32, #tpu.memory_space<vmem_shared>> -> memref<333312xf32, #tpu.memory_space<vmem_shared>>
      %dma_start3A_68 = arith.constant 2147483647 : i32
      tpu.enqueue_indirect_dma source(%dma_start3A_67 : memref<333312xf32, #tpu.memory_space<vmem_shared>>) target(%arg26 : memref<1024xf32, #tpu.memory_space<vmem>>) offsets(%arg19 : memref<1024xi32, #tpu.memory_space<vmem>>) offset_filter(%dma_start3A_68) semaphore(%arg36 : memref<!tpu.dma_semaphore, #tpu.memory_space<semaphore_mem>>)
      %dma_wait3A_69 = arith.constant 0 : i32
      %dma_wait3A_70 = tpu.memref_slice %arg13[%dma_wait3A_69] : memref<333312xf32, #tpu.memory_space<vmem_shared>> -> memref<333312xf32, #tpu.memory_space<vmem_shared>>
      tpu.wait_indirect_dma semaphore(%arg36 : memref<!tpu.dma_semaphore, #tpu.memory_space<semaphore_mem>>) src(%dma_wait3A_70 : memref<333312xf32, #tpu.memory_space<vmem_shared>>) dst(%arg26 : memref<1024xf32, #tpu.memory_space<vmem>>)
      %barrier3A_71 = arith.constant 0 : index
      tpu.barrier barrier_id(%barrier3A_71)
      %eq3A_72 = arith.constant 0 : i32
      %eq3A_73 = arith.cmpi eq, %arg1, %eq3A_72 : i32
      %convert_element_type3A_74 = arith.extui %eq3A_73 : i1 to i32
      %cond3A_75 = arith.constant 0 : i32
      %cond3A_76 = arith.cmpi ne, %convert_element_type3A_74, %cond3A_75 : i32
      scf.if %cond3A_76 {
        %dma_start3A_164 = arith.constant 0 : i32
        %dma_start3A_165 = tpu.memref_slice %arg13[%dma_start3A_164] : memref<333312xf32, #tpu.memory_space<vmem_shared>> -> memref<166656xf32, #tpu.memory_space<vmem_shared>>
        %dma_start3A_166 = arith.constant 666624 : i32
        %dma_start3A_167 = tpu.memref_slice %arg6[%add3A_28, %dma_start3A_166] : memref<64x1000000xf32, #tpu.memory_space<hbm>> -> memref<1x166656xf32, #tpu.memory_space<hbm>>
        %dma_start3A_168 = tpu.memref_squeeze %dma_start3A_167 : memref<1x166656xf32, #tpu.memory_space<hbm>> -> memref<166656xf32, #tpu.memory_space<hbm>>
        tpu.enqueue_dma source(%dma_start3A_168 : memref<166656xf32, #tpu.memory_space<hbm>>) target(%dma_start3A_165 : memref<166656xf32, #tpu.memory_space<vmem_shared>>) target_semaphore(%arg35 : memref<!tpu.dma_semaphore, #tpu.memory_space<semaphore_mem>>)
        %dma_start3A_169 = arith.constant 166656 : i32
        %dma_start3A_170 = tpu.memref_slice %arg13[%dma_start3A_169] : memref<333312xf32, #tpu.memory_space<vmem_shared>> -> memref<166656xf32, #tpu.memory_space<vmem_shared>>
        %dma_start3A_171 = arith.constant 833280 : i32
        %dma_start3A_172 = tpu.memref_slice %arg6[%add3A_28, %dma_start3A_171] : memref<64x1000000xf32, #tpu.memory_space<hbm>> -> memref<1x166656xf32, #tpu.memory_space<hbm>>
        %dma_start3A_173 = tpu.memref_squeeze %dma_start3A_172 : memref<1x166656xf32, #tpu.memory_space<hbm>> -> memref<166656xf32, #tpu.memory_space<hbm>>
        tpu.enqueue_dma source(%dma_start3A_173 : memref<166656xf32, #tpu.memory_space<hbm>>) target(%dma_start3A_170 : memref<166656xf32, #tpu.memory_space<vmem_shared>>) target_semaphore(%arg35 : memref<!tpu.dma_semaphore, #tpu.memory_space<semaphore_mem>>)
      } else {
      }
      %eq3A_77 = arith.constant 0 : i32
      %eq3A_78 = arith.cmpi eq, %arg1, %eq3A_77 : i32
      %convert_element_type3A_79 = arith.extui %eq3A_78 : i1 to i32
      %cond3A_80 = arith.constant 0 : i32
      %cond3A_81 = arith.cmpi ne, %convert_element_type3A_79, %cond3A_80 : i32
      scf.if %cond3A_81 {
        %dma_wait3A_164 = arith.constant 0 : i32
        %dma_wait3A_165 = arith.constant 0 : i32
        %dma_wait3A_166 = tpu.memref_slice %arg5[%dma_wait3A_164, %dma_wait3A_165] : memref<64x1000000xf32, #tpu.memory_space<hbm>> -> memref<1x333312xf32, #tpu.memory_space<hbm>>
        %dma_wait3A_167 = tpu.memref_squeeze %dma_wait3A_166 : memref<1x333312xf32, #tpu.memory_space<hbm>> -> memref<333312xf32, #tpu.memory_space<hbm>>
        tpu.wait_dma2 semaphore(%arg33 : memref<!tpu.dma_semaphore, #tpu.memory_space<semaphore_mem>>) src(%dma_wait3A_167 : memref<333312xf32, #tpu.memory_space<hbm>>) dst(%arg11 : memref<333312xf32, #tpu.memory_space<vmem_shared>>)
      } else {
      }
      %barrier3A_82 = arith.constant 0 : index
      tpu.barrier barrier_id(%barrier3A_82)
      %dma_start3A_83 = arith.constant 0 : i32
      %dma_start3A_84 = tpu.memref_slice %arg11[%dma_start3A_83] : memref<333312xf32, #tpu.memory_space<vmem_shared>> -> memref<333312xf32, #tpu.memory_space<vmem_shared>>
      %dma_start3A_85 = arith.constant 2147483647 : i32
      tpu.enqueue_indirect_dma source(%dma_start3A_84 : memref<333312xf32, #tpu.memory_space<vmem_shared>>) target(%arg27 : memref<1024xf32, #tpu.memory_space<vmem>>) offsets(%arg20 : memref<1024xi32, #tpu.memory_space<vmem>>) offset_filter(%dma_start3A_85) semaphore(%arg36 : memref<!tpu.dma_semaphore, #tpu.memory_space<semaphore_mem>>)
      %dma_start3A_86 = arith.constant 0 : i32
      %dma_start3A_87 = tpu.memref_slice %arg11[%dma_start3A_86] : memref<333312xf32, #tpu.memory_space<vmem_shared>> -> memref<333312xf32, #tpu.memory_space<vmem_shared>>
      %dma_start3A_88 = arith.constant 2147483647 : i32
      tpu.enqueue_indirect_dma source(%dma_start3A_87 : memref<333312xf32, #tpu.memory_space<vmem_shared>>) target(%arg28 : memref<1024xf32, #tpu.memory_space<vmem>>) offsets(%arg23 : memref<1024xi32, #tpu.memory_space<vmem>>) offset_filter(%dma_start3A_88) semaphore(%arg36 : memref<!tpu.dma_semaphore, #tpu.memory_space<semaphore_mem>>)
      %dma_wait3A_89 = arith.constant 0 : i32
      %dma_wait3A_90 = tpu.memref_slice %arg11[%dma_wait3A_89] : memref<333312xf32, #tpu.memory_space<vmem_shared>> -> memref<333312xf32, #tpu.memory_space<vmem_shared>>
      tpu.wait_indirect_dma semaphore(%arg36 : memref<!tpu.dma_semaphore, #tpu.memory_space<semaphore_mem>>) src(%dma_wait3A_90 : memref<333312xf32, #tpu.memory_space<vmem_shared>>) dst(%arg27 : memref<1024xf32, #tpu.memory_space<vmem>>)
      %dma_wait3A_91 = arith.constant 0 : i32
      %dma_wait3A_92 = tpu.memref_slice %arg11[%dma_wait3A_91] : memref<333312xf32, #tpu.memory_space<vmem_shared>> -> memref<333312xf32, #tpu.memory_space<vmem_shared>>
      tpu.wait_indirect_dma semaphore(%arg36 : memref<!tpu.dma_semaphore, #tpu.memory_space<semaphore_mem>>) src(%dma_wait3A_92 : memref<333312xf32, #tpu.memory_space<vmem_shared>>) dst(%arg28 : memref<1024xf32, #tpu.memory_space<vmem>>)
      %barrier3A_93 = arith.constant 0 : index
      tpu.barrier barrier_id(%barrier3A_93)
      %eq3A_94 = arith.constant 0 : i32
      %eq3A_95 = arith.cmpi eq, %arg1, %eq3A_94 : i32
      %add3A_96 = arith.constant 1 : i32
      %add3A_97 = arith.addi %scan3A_26, %add3A_96 : i32
      %lt3A = arith.constant 32 : i32
      %lt3A_98 = arith.cmpi slt, %add3A_97, %lt3A : i32
      %and3A = arith.andi %eq3A_95, %lt3A_98 : i1
      %convert_element_type3A_99 = arith.extui %and3A : i1 to i32
      %cond3A_100 = arith.constant 0 : i32
      %cond3A_101 = arith.cmpi ne, %convert_element_type3A_99, %cond3A_100 : i32
      scf.if %cond3A_101 {
        %add3A_164 = arith.constant 1 : i32
        %add3A_165 = arith.addi %add3A_28, %add3A_164 : i32
        %dma_start3A_166 = arith.constant 0 : i32
        %dma_start3A_167 = tpu.memref_slice %arg11[%dma_start3A_166] : memref<333312xf32, #tpu.memory_space<vmem_shared>> -> memref<166656xf32, #tpu.memory_space<vmem_shared>>
        %dma_start3A_168 = arith.constant 0 : i32
        %dma_start3A_169 = tpu.memref_slice %arg5[%add3A_165, %dma_start3A_168] : memref<64x1000000xf32, #tpu.memory_space<hbm>> -> memref<1x166656xf32, #tpu.memory_space<hbm>>
        %dma_start3A_170 = tpu.memref_squeeze %dma_start3A_169 : memref<1x166656xf32, #tpu.memory_space<hbm>> -> memref<166656xf32, #tpu.memory_space<hbm>>
        tpu.enqueue_dma source(%dma_start3A_170 : memref<166656xf32, #tpu.memory_space<hbm>>) target(%dma_start3A_167 : memref<166656xf32, #tpu.memory_space<vmem_shared>>) target_semaphore(%arg33 : memref<!tpu.dma_semaphore, #tpu.memory_space<semaphore_mem>>)
        %dma_start3A_171 = arith.constant 166656 : i32
        %dma_start3A_172 = tpu.memref_slice %arg11[%dma_start3A_171] : memref<333312xf32, #tpu.memory_space<vmem_shared>> -> memref<166656xf32, #tpu.memory_space<vmem_shared>>
        %dma_start3A_173 = arith.constant 166656 : i32
        %dma_start3A_174 = tpu.memref_slice %arg5[%add3A_165, %dma_start3A_173] : memref<64x1000000xf32, #tpu.memory_space<hbm>> -> memref<1x166656xf32, #tpu.memory_space<hbm>>
        %dma_start3A_175 = tpu.memref_squeeze %dma_start3A_174 : memref<1x166656xf32, #tpu.memory_space<hbm>> -> memref<166656xf32, #tpu.memory_space<hbm>>
        tpu.enqueue_dma source(%dma_start3A_175 : memref<166656xf32, #tpu.memory_space<hbm>>) target(%dma_start3A_172 : memref<166656xf32, #tpu.memory_space<vmem_shared>>) target_semaphore(%arg33 : memref<!tpu.dma_semaphore, #tpu.memory_space<semaphore_mem>>)
      } else {
      }
      %eq3A_102 = arith.constant 0 : i32
      %eq3A_103 = arith.cmpi eq, %arg1, %eq3A_102 : i32
      %convert_element_type3A_104 = arith.extui %eq3A_103 : i1 to i32
      %cond3A_105 = arith.constant 0 : i32
      %cond3A_106 = arith.cmpi ne, %convert_element_type3A_104, %cond3A_105 : i32
      scf.if %cond3A_106 {
        %dma_wait3A_164 = arith.constant 0 : i32
        %dma_wait3A_165 = arith.constant 0 : i32
        %dma_wait3A_166 = tpu.memref_slice %arg5[%dma_wait3A_164, %dma_wait3A_165] : memref<64x1000000xf32, #tpu.memory_space<hbm>> -> memref<1x333312xf32, #tpu.memory_space<hbm>>
        %dma_wait3A_167 = tpu.memref_squeeze %dma_wait3A_166 : memref<1x333312xf32, #tpu.memory_space<hbm>> -> memref<333312xf32, #tpu.memory_space<hbm>>
        tpu.wait_dma2 semaphore(%arg34 : memref<!tpu.dma_semaphore, #tpu.memory_space<semaphore_mem>>) src(%dma_wait3A_167 : memref<333312xf32, #tpu.memory_space<hbm>>) dst(%arg12 : memref<333312xf32, #tpu.memory_space<vmem_shared>>)
      } else {
      }
      %barrier3A_107 = arith.constant 0 : index
      tpu.barrier barrier_id(%barrier3A_107)
      %dma_start3A_108 = arith.constant 0 : i32
      %dma_start3A_109 = tpu.memref_slice %arg12[%dma_start3A_108] : memref<333312xf32, #tpu.memory_space<vmem_shared>> -> memref<333312xf32, #tpu.memory_space<vmem_shared>>
      %dma_start3A_110 = arith.constant 2147483647 : i32
      tpu.enqueue_indirect_dma source(%dma_start3A_109 : memref<333312xf32, #tpu.memory_space<vmem_shared>>) target(%arg27 : memref<1024xf32, #tpu.memory_space<vmem>>) offsets(%arg21 : memref<1024xi32, #tpu.memory_space<vmem>>) offset_filter(%dma_start3A_110) semaphore(%arg36 : memref<!tpu.dma_semaphore, #tpu.memory_space<semaphore_mem>>)
      %dma_start3A_111 = arith.constant 0 : i32
      %dma_start3A_112 = tpu.memref_slice %arg12[%dma_start3A_111] : memref<333312xf32, #tpu.memory_space<vmem_shared>> -> memref<333312xf32, #tpu.memory_space<vmem_shared>>
      %dma_start3A_113 = arith.constant 2147483647 : i32
      tpu.enqueue_indirect_dma source(%dma_start3A_112 : memref<333312xf32, #tpu.memory_space<vmem_shared>>) target(%arg28 : memref<1024xf32, #tpu.memory_space<vmem>>) offsets(%arg24 : memref<1024xi32, #tpu.memory_space<vmem>>) offset_filter(%dma_start3A_113) semaphore(%arg36 : memref<!tpu.dma_semaphore, #tpu.memory_space<semaphore_mem>>)
      %dma_wait3A_114 = arith.constant 0 : i32
      %dma_wait3A_115 = tpu.memref_slice %arg12[%dma_wait3A_114] : memref<333312xf32, #tpu.memory_space<vmem_shared>> -> memref<333312xf32, #tpu.memory_space<vmem_shared>>
      tpu.wait_indirect_dma semaphore(%arg36 : memref<!tpu.dma_semaphore, #tpu.memory_space<semaphore_mem>>) src(%dma_wait3A_115 : memref<333312xf32, #tpu.memory_space<vmem_shared>>) dst(%arg27 : memref<1024xf32, #tpu.memory_space<vmem>>)
      %dma_wait3A_116 = arith.constant 0 : i32
      %dma_wait3A_117 = tpu.memref_slice %arg12[%dma_wait3A_116] : memref<333312xf32, #tpu.memory_space<vmem_shared>> -> memref<333312xf32, #tpu.memory_space<vmem_shared>>
      tpu.wait_indirect_dma semaphore(%arg36 : memref<!tpu.dma_semaphore, #tpu.memory_space<semaphore_mem>>) src(%dma_wait3A_117 : memref<333312xf32, #tpu.memory_space<vmem_shared>>) dst(%arg28 : memref<1024xf32, #tpu.memory_space<vmem>>)
      %barrier3A_118 = arith.constant 0 : index
      tpu.barrier barrier_id(%barrier3A_118)
      %eq3A_119 = arith.constant 0 : i32
      %eq3A_120 = arith.cmpi eq, %arg1, %eq3A_119 : i32
      %add3A_121 = arith.constant 1 : i32
      %add3A_122 = arith.addi %scan3A_26, %add3A_121 : i32
      %lt3A_123 = arith.constant 32 : i32
      %lt3A_124 = arith.cmpi slt, %add3A_122, %lt3A_123 : i32
      %and3A_125 = arith.andi %eq3A_120, %lt3A_124 : i1
      %convert_element_type3A_126 = arith.extui %and3A_125 : i1 to i32
      %cond3A_127 = arith.constant 0 : i32
      %cond3A_128 = arith.cmpi ne, %convert_element_type3A_126, %cond3A_127 : i32
      scf.if %cond3A_128 {
        %add3A_164 = arith.constant 1 : i32
        %add3A_165 = arith.addi %add3A_28, %add3A_164 : i32
        %dma_start3A_166 = arith.constant 0 : i32
        %dma_start3A_167 = tpu.memref_slice %arg12[%dma_start3A_166] : memref<333312xf32, #tpu.memory_space<vmem_shared>> -> memref<166656xf32, #tpu.memory_space<vmem_shared>>
        %dma_start3A_168 = arith.constant 333312 : i32
        %dma_start3A_169 = tpu.memref_slice %arg5[%add3A_165, %dma_start3A_168] : memref<64x1000000xf32, #tpu.memory_space<hbm>> -> memref<1x166656xf32, #tpu.memory_space<hbm>>
        %dma_start3A_170 = tpu.memref_squeeze %dma_start3A_169 : memref<1x166656xf32, #tpu.memory_space<hbm>> -> memref<166656xf32, #tpu.memory_space<hbm>>
        tpu.enqueue_dma source(%dma_start3A_170 : memref<166656xf32, #tpu.memory_space<hbm>>) target(%dma_start3A_167 : memref<166656xf32, #tpu.memory_space<vmem_shared>>) target_semaphore(%arg34 : memref<!tpu.dma_semaphore, #tpu.memory_space<semaphore_mem>>)
        %dma_start3A_171 = arith.constant 166656 : i32
        %dma_start3A_172 = tpu.memref_slice %arg12[%dma_start3A_171] : memref<333312xf32, #tpu.memory_space<vmem_shared>> -> memref<166656xf32, #tpu.memory_space<vmem_shared>>
        %dma_start3A_173 = arith.constant 499968 : i32
        %dma_start3A_174 = tpu.memref_slice %arg5[%add3A_165, %dma_start3A_173] : memref<64x1000000xf32, #tpu.memory_space<hbm>> -> memref<1x166656xf32, #tpu.memory_space<hbm>>
        %dma_start3A_175 = tpu.memref_squeeze %dma_start3A_174 : memref<1x166656xf32, #tpu.memory_space<hbm>> -> memref<166656xf32, #tpu.memory_space<hbm>>
        tpu.enqueue_dma source(%dma_start3A_175 : memref<166656xf32, #tpu.memory_space<hbm>>) target(%dma_start3A_172 : memref<166656xf32, #tpu.memory_space<vmem_shared>>) target_semaphore(%arg34 : memref<!tpu.dma_semaphore, #tpu.memory_space<semaphore_mem>>)
      } else {
      }
      %eq3A_129 = arith.constant 0 : i32
      %eq3A_130 = arith.cmpi eq, %arg1, %eq3A_129 : i32
      %convert_element_type3A_131 = arith.extui %eq3A_130 : i1 to i32
      %cond3A_132 = arith.constant 0 : i32
      %cond3A_133 = arith.cmpi ne, %convert_element_type3A_131, %cond3A_132 : i32
      scf.if %cond3A_133 {
        %dma_wait3A_164 = arith.constant 0 : i32
        %dma_wait3A_165 = arith.constant 0 : i32
        %dma_wait3A_166 = tpu.memref_slice %arg5[%dma_wait3A_164, %dma_wait3A_165] : memref<64x1000000xf32, #tpu.memory_space<hbm>> -> memref<1x333312xf32, #tpu.memory_space<hbm>>
        %dma_wait3A_167 = tpu.memref_squeeze %dma_wait3A_166 : memref<1x333312xf32, #tpu.memory_space<hbm>> -> memref<333312xf32, #tpu.memory_space<hbm>>
        tpu.wait_dma2 semaphore(%arg35 : memref<!tpu.dma_semaphore, #tpu.memory_space<semaphore_mem>>) src(%dma_wait3A_167 : memref<333312xf32, #tpu.memory_space<hbm>>) dst(%arg13 : memref<333312xf32, #tpu.memory_space<vmem_shared>>)
      } else {
      }
      %barrier3A_134 = arith.constant 0 : index
      tpu.barrier barrier_id(%barrier3A_134)
      %dma_start3A_135 = arith.constant 0 : i32
      %dma_start3A_136 = tpu.memref_slice %arg13[%dma_start3A_135] : memref<333312xf32, #tpu.memory_space<vmem_shared>> -> memref<333312xf32, #tpu.memory_space<vmem_shared>>
      %dma_start3A_137 = arith.constant 2147483647 : i32
      tpu.enqueue_indirect_dma source(%dma_start3A_136 : memref<333312xf32, #tpu.memory_space<vmem_shared>>) target(%arg27 : memref<1024xf32, #tpu.memory_space<vmem>>) offsets(%arg22 : memref<1024xi32, #tpu.memory_space<vmem>>) offset_filter(%dma_start3A_137) semaphore(%arg36 : memref<!tpu.dma_semaphore, #tpu.memory_space<semaphore_mem>>)
      %dma_start3A_138 = arith.constant 0 : i32
      %dma_start3A_139 = tpu.memref_slice %arg13[%dma_start3A_138] : memref<333312xf32, #tpu.memory_space<vmem_shared>> -> memref<333312xf32, #tpu.memory_space<vmem_shared>>
      %dma_start3A_140 = arith.constant 2147483647 : i32
      tpu.enqueue_indirect_dma source(%dma_start3A_139 : memref<333312xf32, #tpu.memory_space<vmem_shared>>) target(%arg28 : memref<1024xf32, #tpu.memory_space<vmem>>) offsets(%arg25 : memref<1024xi32, #tpu.memory_space<vmem>>) offset_filter(%dma_start3A_140) semaphore(%arg36 : memref<!tpu.dma_semaphore, #tpu.memory_space<semaphore_mem>>)
      %dma_wait3A_141 = arith.constant 0 : i32
      %dma_wait3A_142 = tpu.memref_slice %arg13[%dma_wait3A_141] : memref<333312xf32, #tpu.memory_space<vmem_shared>> -> memref<333312xf32, #tpu.memory_space<vmem_shared>>
      tpu.wait_indirect_dma semaphore(%arg36 : memref<!tpu.dma_semaphore, #tpu.memory_space<semaphore_mem>>) src(%dma_wait3A_142 : memref<333312xf32, #tpu.memory_space<vmem_shared>>) dst(%arg27 : memref<1024xf32, #tpu.memory_space<vmem>>)
      %dma_wait3A_143 = arith.constant 0 : i32
      %dma_wait3A_144 = tpu.memref_slice %arg13[%dma_wait3A_143] : memref<333312xf32, #tpu.memory_space<vmem_shared>> -> memref<333312xf32, #tpu.memory_space<vmem_shared>>
      tpu.wait_indirect_dma semaphore(%arg36 : memref<!tpu.dma_semaphore, #tpu.memory_space<semaphore_mem>>) src(%dma_wait3A_144 : memref<333312xf32, #tpu.memory_space<vmem_shared>>) dst(%arg28 : memref<1024xf32, #tpu.memory_space<vmem>>)
      %mul3A_145 = arith.constant 64 : i32
      %mul3A_146 = arith.muli %add3A_28, %mul3A_145 : i32
      %scan3A_147 = arith.constant 0 : i32
      %scan3A_148 = arith.constant 64 : i32
      %scan3A_149 = arith.addi %scan3A_147, %scan3A_148 : i32
      %scan3A_150 = arith.constant 1 : i32
      %scan3A_151 = scf.for %scan3A_164 = %scan3A_147 to %scan3A_149 step %scan3A_150 iter_args(%scan3A_165 = %scan3A_27) -> (vector<16xf32>)  : i32 {
        %mul3A_166 = arith.constant 16 : i32
        %mul3A_167 = arith.muli %scan3A_164, %mul3A_166 : i32
        %get3A = arith.index_cast %mul3A_167 : i32 to index
        %get3A_168 = tpu.vector_load %arg26[%get3A] {strides = array<i32>} : memref<1024xf32, #tpu.memory_space<vmem>>, vector<16xf32>,
        %get3A_169 = arith.index_cast %mul3A_167 : i32 to index
        %get3A_170 = tpu.vector_load %arg27[%get3A_169] {strides = array<i32>} : memref<1024xf32, #tpu.memory_space<vmem>>, vector<16xf32>,
        %get3A_171 = arith.index_cast %mul3A_167 : i32 to index
        %get3A_172 = tpu.vector_load %arg28[%get3A_171] {strides = array<i32>} : memref<1024xf32, #tpu.memory_space<vmem>>, vector<16xf32>,
        %get3A_173 = arith.index_cast %mul3A_167 : i32 to index
        %get3A_174 = tpu.vector_load %arg14[%get3A_173] {strides = array<i32>} : memref<1024xi32, #tpu.memory_space<vmem>>, vector<16xi32>,
        %get3A_175 = arith.index_cast %mul3A_167 : i32 to index
        %get3A_176 = tpu.vector_load %arg15[%get3A_175] {strides = array<i32>} : memref<1024xi32, #tpu.memory_space<vmem>>, vector<16xi32>,
        %get3A_177 = arith.index_cast %mul3A_167 : i32 to index
        %get3A_178 = tpu.vector_load %arg16[%get3A_177] {strides = array<i32>} : memref<1024xi32, #tpu.memory_space<vmem>>, vector<16xi32>,
        %sub3A = arith.constant 999936 : i32
        %sub3A_179 = vector.broadcast %sub3A : i32 to vector<16xi32>
        %sub3A_180 = arith.subi %get3A_174, %sub3A_179 : vector<16xi32>
        %max3A = arith.constant 0 : i32
        %max3A_181 = vector.broadcast %max3A : i32 to vector<16xi32>
        %max3A_182 = arith.maxsi %sub3A_180, %max3A_181 : vector<16xi32>
        %add3A_183 = vector.broadcast %mul3A_146 : i32 to vector<16xi32>
        %add3A_184 = arith.addi %add3A_183, %max3A_182 : vector<16xi32>
        %gather3A = tpu.vector_load_idx %arg31[%add3A_184] : memref<4096xf32, #tpu.memory_space<vmem>>[vector<16xi32>], vector<16xf32>,
        %sub3A_185 = arith.constant 999936 : i32
        %sub3A_186 = vector.broadcast %sub3A_185 : i32 to vector<16xi32>
        %sub3A_187 = arith.subi %get3A_176, %sub3A_186 : vector<16xi32>
        %max3A_188 = arith.constant 0 : i32
        %max3A_189 = vector.broadcast %max3A_188 : i32 to vector<16xi32>
        %max3A_190 = arith.maxsi %sub3A_187, %max3A_189 : vector<16xi32>
        %add3A_191 = vector.broadcast %mul3A_146 : i32 to vector<16xi32>
        %add3A_192 = arith.addi %add3A_191, %max3A_190 : vector<16xi32>
        %gather3A_193 = tpu.vector_load_idx %arg32[%add3A_192] : memref<4096xf32, #tpu.memory_space<vmem>>[vector<16xi32>], vector<16xf32>,
        %sub3A_194 = arith.constant 999936 : i32
        %sub3A_195 = vector.broadcast %sub3A_194 : i32 to vector<16xi32>
        %sub3A_196 = arith.subi %get3A_178, %sub3A_195 : vector<16xi32>
        %max3A_197 = arith.constant 0 : i32
        %max3A_198 = vector.broadcast %max3A_197 : i32 to vector<16xi32>
        %max3A_199 = arith.maxsi %sub3A_196, %max3A_198 : vector<16xi32>
        %add3A_200 = vector.broadcast %mul3A_146 : i32 to vector<16xi32>
        %add3A_201 = arith.addi %add3A_200, %max3A_199 : vector<16xi32>
        %gather3A_202 = tpu.vector_load_idx %arg32[%add3A_201] : memref<4096xf32, #tpu.memory_space<vmem>>[vector<16xi32>], vector<16xf32>,
        %ge3A = arith.constant 999936 : i32
        %ge3A_203 = vector.broadcast %ge3A : i32 to vector<16xi32>
        %ge3A_204 = arith.cmpi sge, %get3A_174, %ge3A_203 : vector<16xi32>
        %select_n3A = arith.select %ge3A_204, %gather3A, %get3A_168 : vector<16xi1>, vector<16xf32>
        %ge3A_205 = arith.constant 999936 : i32
        %ge3A_206 = vector.broadcast %ge3A_205 : i32 to vector<16xi32>
        %ge3A_207 = arith.cmpi sge, %get3A_176, %ge3A_206 : vector<16xi32>
        %select_n3A_208 = arith.select %ge3A_207, %gather3A_193, %get3A_170 : vector<16xi1>, vector<16xf32>
        %ge3A_209 = arith.constant 999936 : i32
        %ge3A_210 = vector.broadcast %ge3A_209 : i32 to vector<16xi32>
        %ge3A_211 = arith.cmpi sge, %get3A_178, %ge3A_210 : vector<16xi32>
        %select_n3A_212 = arith.select %ge3A_211, %gather3A_202, %get3A_172 : vector<16xi1>, vector<16xf32>
        %get3A_213 = arith.index_cast %mul3A_167 : i32 to index
        %get3A_214 = tpu.vector_load %arg29[%get3A_213] {strides = array<i32>} : memref<1024xf32, #tpu.memory_space<vmem>>, vector<16xf32>,
        %sub3A_215 = arith.subf %select_n3A_208, %select_n3A_212 : vector<16xf32>
        %mul3A_216 = arith.mulf %select_n3A, %sub3A_215 : vector<16xf32>
        %add3A_217 = arith.addf %get3A_214, %mul3A_216 : vector<16xf32>
        %swap3A_218 = arith.index_cast %mul3A_167 : i32 to index
        %swap3A_219 = tpu.vector_load %arg29[%swap3A_218] {strides = array<i32>} : memref<1024xf32, #tpu.memory_space<vmem>>, vector<16xf32>,
        tpu.vector_store %arg29[%swap3A_218], %add3A_217 {strides = array<i32>} : memref<1024xf32, #tpu.memory_space<vmem>>, vector<16xf32>,
        %mul3A_220 = arith.mulf %select_n3A, %select_n3A : vector<16xf32>
        %mul3A_221 = arith.mulf %select_n3A_208, %select_n3A_208 : vector<16xf32>
        %add3A_222 = arith.addf %mul3A_220, %mul3A_221 : vector<16xf32>
        %mul3A_223 = arith.mulf %select_n3A_212, %select_n3A_212 : vector<16xf32>
        %add3A_224 = arith.addf %add3A_222, %mul3A_223 : vector<16xf32>
        %add3A_225 = arith.addf %scan3A_165, %add3A_224 : vector<16xf32>
        scf.yield %add3A_225 : vector<16xf32>
      }
      %scan3A_152 = arith.constant 64 : i32
      %barrier3A_153 = arith.constant 0 : index
      tpu.barrier barrier_id(%barrier3A_153)
      %eq3A_154 = arith.constant 0 : i32
      %eq3A_155 = arith.cmpi eq, %arg1, %eq3A_154 : i32
      %add3A_156 = arith.constant 1 : i32
      %add3A_157 = arith.addi %scan3A_26, %add3A_156 : i32
      %lt3A_158 = arith.constant 32 : i32
      %lt3A_159 = arith.cmpi slt, %add3A_157, %lt3A_158 : i32
      %and3A_160 = arith.andi %eq3A_155, %lt3A_159 : i1
      %convert_element_type3A_161 = arith.extui %and3A_160 : i1 to i32
      %cond3A_162 = arith.constant 0 : i32
      %cond3A_163 = arith.cmpi ne, %convert_element_type3A_161, %cond3A_162 : i32
      scf.if %cond3A_163 {
        %add3A_164 = arith.constant 1 : i32
        %add3A_165 = arith.addi %add3A_28, %add3A_164 : i32
        %dma_start3A_166 = arith.constant 0 : i32
        %dma_start3A_167 = tpu.memref_slice %arg13[%dma_start3A_166] : memref<333312xf32, #tpu.memory_space<vmem_shared>> -> memref<166656xf32, #tpu.memory_space<vmem_shared>>
        %dma_start3A_168 = arith.constant 666624 : i32
        %dma_start3A_169 = tpu.memref_slice %arg5[%add3A_165, %dma_start3A_168] : memref<64x1000000xf32, #tpu.memory_space<hbm>> -> memref<1x166656xf32, #tpu.memory_space<hbm>>
        %dma_start3A_170 = tpu.memref_squeeze %dma_start3A_169 : memref<1x166656xf32, #tpu.memory_space<hbm>> -> memref<166656xf32, #tpu.memory_space<hbm>>
        tpu.enqueue_dma source(%dma_start3A_170 : memref<166656xf32, #tpu.memory_space<hbm>>) target(%dma_start3A_167 : memref<166656xf32, #tpu.memory_space<vmem_shared>>) target_semaphore(%arg35 : memref<!tpu.dma_semaphore, #tpu.memory_space<semaphore_mem>>)
        %dma_start3A_171 = arith.constant 166656 : i32
        %dma_start3A_172 = tpu.memref_slice %arg13[%dma_start3A_171] : memref<333312xf32, #tpu.memory_space<vmem_shared>> -> memref<166656xf32, #tpu.memory_space<vmem_shared>>
        %dma_start3A_173 = arith.constant 833280 : i32
        %dma_start3A_174 = tpu.memref_slice %arg5[%add3A_165, %dma_start3A_173] : memref<64x1000000xf32, #tpu.memory_space<hbm>> -> memref<1x166656xf32, #tpu.memory_space<hbm>>
        %dma_start3A_175 = tpu.memref_squeeze %dma_start3A_174 : memref<1x166656xf32, #tpu.memory_space<hbm>> -> memref<166656xf32, #tpu.memory_space<hbm>>
        tpu.enqueue_dma source(%dma_start3A_175 : memref<166656xf32, #tpu.memory_space<hbm>>) target(%dma_start3A_172 : memref<166656xf32, #tpu.memory_space<vmem_shared>>) target_semaphore(%arg35 : memref<!tpu.dma_semaphore, #tpu.memory_space<semaphore_mem>>)
      } else {
      }
      scf.yield %scan3A_151 : vector<16xf32>
    }
    %scan3A_17 = arith.constant 32 : i32
    %swap3A = arith.constant 0 : index
    %swap3A_18 = tpu.vector_load %arg30[%swap3A] {strides = array<i32>} : memref<16xf32, #tpu.memory_space<vmem>>, vector<16xf32>,
    tpu.vector_store %arg30[%swap3A], %scan3A_16 {strides = array<i32>} : memref<16xf32, #tpu.memory_space<vmem>>, vector<16xf32>,
    %mul3A_19 = arith.constant 16384 : i32
    %mul3A_20 = arith.muli %arg0, %mul3A_19 : i32
    %add3A = arith.addi %mul3A_20, %mul3A_0 : i32
    "tpu.region"() ({
      %run_scoped3A = tpu.sem_alloc : memref<!tpu.dma_semaphore, #tpu.memory_space<semaphore_mem>>
      %dma_start3A = tpu.memref_slice %arg9[%add3A] : memref<32768xf32, #tpu.memory_space<hbm>> -> memref<1024xf32, #tpu.memory_space<hbm>>
      %dma_start3A_26 = tpu.memref_slice %arg9[%add3A] : memref<32768xf32, #tpu.memory_space<hbm>> -> memref<1024xf32, #tpu.memory_space<hbm>>
      tpu.enqueue_dma source(%arg29 : memref<1024xf32, #tpu.memory_space<vmem>>) target(%dma_start3A_26 : memref<1024xf32, #tpu.memory_space<hbm>>) target_semaphore(%run_scoped3A : memref<!tpu.dma_semaphore, #tpu.memory_space<semaphore_mem>>)
      %dma_wait3A = tpu.memref_slice %arg9[%add3A] : memref<32768xf32, #tpu.memory_space<hbm>> -> memref<1024xf32, #tpu.memory_space<hbm>>
      %dma_wait3A_27 = tpu.memref_slice %arg9[%add3A] : memref<32768xf32, #tpu.memory_space<hbm>> -> memref<1024xf32, #tpu.memory_space<hbm>>
      tpu.wait_dma2 semaphore(%run_scoped3A : memref<!tpu.dma_semaphore, #tpu.memory_space<semaphore_mem>>) src(%arg29 : memref<1024xf32, #tpu.memory_space<vmem>>) dst(%dma_wait3A_27 : memref<1024xf32, #tpu.memory_space<hbm>>)
      tpu.yield
    }) : () -> ()
    %mul3A_21 = arith.constant 16 : i32
    %mul3A_22 = arith.muli %arg0, %mul3A_21 : i32
    %add3A_23 = arith.addi %mul3A_22, %arg1 : i32
    %mul3A_24 = arith.constant 16 : i32
    %mul3A_25 = arith.muli %add3A_23, %mul3A_24 : i32
    "tpu.region"() ({
      %run_scoped3A = tpu.sem_alloc : memref<!tpu.dma_semaphore, #tpu.memory_space<semaphore_mem>>
      %dma_start3A = tpu.memref_slice %arg10[%mul3A_25] : memref<512xf32, #tpu.memory_space<hbm>> -> memref<16xf32, #tpu.memory_space<hbm>>
      %dma_start3A_26 = tpu.memref_slice %arg10[%mul3A_25] : memref<512xf32, #tpu.memory_space<hbm>> -> memref<16xf32, #tpu.memory_space<hbm>>
      tpu.enqueue_dma source(%arg30 : memref<16xf32, #tpu.memory_space<vmem>>) target(%dma_start3A_26 : memref<16xf32, #tpu.memory_space<hbm>>) target_semaphore(%run_scoped3A : memref<!tpu.dma_semaphore, #tpu.memory_space<semaphore_mem>>)
      %dma_wait3A = tpu.memref_slice %arg10[%mul3A_25] : memref<512xf32, #tpu.memory_space<hbm>> -> memref<16xf32, #tpu.memory_space<hbm>>
      %dma_wait3A_27 = tpu.memref_slice %arg10[%mul3A_25] : memref<512xf32, #tpu.memory_space<hbm>> -> memref<16xf32, #tpu.memory_space<hbm>>
      tpu.wait_dma2 semaphore(%run_scoped3A : memref<!tpu.dma_semaphore, #tpu.memory_space<semaphore_mem>>) src(%arg30 : memref<16xf32, #tpu.memory_space<vmem>>) dst(%dma_wait3A_27 : memref<16xf32, #tpu.memory_space<hbm>>)
      tpu.yield
    }) : () -> ()
    return
  }
}

module attributes {stable_mosaic.version = 14 : i64} {
  func.func @_loss_body(%arg0: memref<256x128xf32, #tpu.memory_space<vmem>>, %arg1: memref<4x128xf32, #tpu.memory_space<vmem>>, %arg2: memref<1x1xf32, #tpu.memory_space<vmem>>) attributes {dimension_semantics = [], scalar_prefetch = 0 : i64, scratch_operands = 0 : i64, tpu.core_type = #tpu.core_type<tc>} {
    %get3A = arith.constant 0 : index
    %get3A_0 = arith.constant 0 : index
    %get3A_1 = vector.load %arg0[%get3A, %get3A_0] : memref<256x128xf32, #tpu.memory_space<vmem>>, vector<128x128xf32>
    %get3A_2 = arith.constant 128 : index
    %get3A_3 = arith.constant 0 : index
    %get3A_4 = vector.load %arg0[%get3A_2, %get3A_3] : memref<256x128xf32, #tpu.memory_space<vmem>>, vector<128x128xf32>
    %add3A = arith.addf %get3A_1, %get3A_4 : vector<128x128xf32>
    %min3A = arith.constant 0.000000e+00 : f32
    %min3A_5 = vector.broadcast %min3A : f32 to vector<128x128xf32>
    %min3A_6 = arith.minimumf %add3A, %min3A_5 : vector<128x128xf32>
    %abs3A = math.absf %add3A : vector<128x128xf32>
    %neg3A = arith.constant 0.000000e+00 : f32
    %neg3A_7 = vector.broadcast %neg3A : f32 to vector<128x128xf32>
    %neg3A_8 = arith.subf %neg3A_7, %abs3A : vector<128x128xf32>
    %exp3A = math.exp %neg3A_8 : vector<128x128xf32>
    %log1p3A = math.log1p %exp3A : vector<128x128xf32>
    %sub3A = arith.subf %min3A_6, %log1p3A : vector<128x128xf32>
    %reduce_sum3A = vector.shape_cast %sub3A : vector<128x128xf32> to vector<1x128x128xf32>
    %reduce_sum3A_9 = arith.constant dense<0.000000e+00> : vector<1xf32>
    %reduce_sum3A_10 = vector.multi_reduction <add>, %reduce_sum3A, %reduce_sum3A_9 [1, 2] : vector<1x128x128xf32> to vector<1xf32>
    %reduce_sum3A_11 = vector.shape_cast %reduce_sum3A_10 : vector<1xf32> to vector<1x1x1xf32>
    %reduce_sum3A_12 = vector.extract %reduce_sum3A_11[0, 0, 0] : f32 from vector<1x1x1xf32>
    %neg3A_13 = arith.constant 0.000000e+00 : f32
    %neg3A_14 = arith.subf %neg3A_13, %reduce_sum3A_12 : f32
    %div3A = arith.constant 1.638400e+04 : f32
    %div3A_15 = arith.divf %neg3A_14, %div3A : f32
    %get3A_16 = arith.constant 0 : index
    %get3A_17 = arith.constant 0 : index
    %get3A_18 = vector.load %arg1[%get3A_16, %get3A_17] : memref<4x128xf32, #tpu.memory_space<vmem>>, vector<4x128xf32>
    %reduce_sum3A_19 = vector.shape_cast %get3A_18 : vector<4x128xf32> to vector<1x4x128xf32>
    %reduce_sum3A_20 = arith.constant dense<0.000000e+00> : vector<1xf32>
    %reduce_sum3A_21 = vector.multi_reduction <add>, %reduce_sum3A_19, %reduce_sum3A_20 [1, 2] : vector<1x4x128xf32> to vector<1xf32>
    %reduce_sum3A_22 = vector.shape_cast %reduce_sum3A_21 : vector<1xf32> to vector<1x1x1xf32>
    %reduce_sum3A_23 = vector.extract %reduce_sum3A_22[0, 0, 0] : f32 from vector<1x1x1xf32>
    %div3A_24 = arith.constant 1.638400e+04 : f32
    %div3A_25 = arith.divf %reduce_sum3A_23, %div3A_24 : f32
    %mul3A = arith.constant 9.99999974E-6 : f32
    %mul3A_26 = arith.mulf %mul3A, %div3A_25 : f32
    %add3A_27 = arith.addf %div3A_15, %mul3A_26 : f32
    %reshape3A = vector.broadcast %add3A_27 : f32 to vector<1x1xf32>
    %swap3A = arith.constant 0 : index
    %swap3A_28 = arith.constant 0 : index
    %swap3A_29 = vector.load %arg2[%swap3A, %swap3A_28] : memref<1x1xf32, #tpu.memory_space<vmem>>, vector<1x1xf32>
    tpu.vector_store %arg2[%swap3A, %swap3A_28], %reshape3A {strides = array<i32>} : memref<1x1xf32, #tpu.memory_space<vmem>>, vector<1x1xf32>,
    return
  }
}

</mosaic_0001>

<sc_bundles>
// kernel: kernel.4.cloned.1.call-start
scs
__scs_entry_jumppad:
0x0: {  	(pc) =	sbr.rel $0x88, $3  }
0x1: {  	(tag) =	ssettag $0x0;
	lr =	simm.s32 $0x1  }
0x2: {  	[smem:$0x3F9C] =	sst lr;
	_ =	strace $0xD0000000  }
0x3: {  	_ = 	snop  }
0x4: {  	_ = 	snop  }
0x5: {  	_ = 	snop  }
0x6: {  	_ = 	snop  }
0x7: {  	_ = 	snop  }
__scs_overlays_trampoline_lowered:
0x8: {  	[smem:$0x3FAB] =	sst s0  }
0x9: {  	[smem:$0x3FAC] =	sst s1  }
0xa: {  	[smem:$0x3FAD] =	sst s2  }
0xb: {  	[smem:$0x3FAE] =	sst s3  }
0xc: {  	[smem:$0x3FAF] =	sst s4  }
0xd: {  	[smem:$0x3FB0] =	sst s5  }
0xe: {  	[smem:$0x3FB1] =	sst s6  }
0xf: {  	[smem:$0x3FB2] =	sst s7  }
0x10: {  	[smem:$0x3FB3] =	sst s8  }
0x11: {  	[smem:$0x3FB4] =	sst s9;
	s0 =	simm.s32 @!p0 $0x0  }
0x12: {  	s1 =	sld [smem:$0x3F9A];
	s0 =	simm.s32 @p0 $0x1  }
0x13: {  	[smem:$0x3FB5] =	sst s0;
	s0 =	simm.s32 @!p1 $0x0  }
0x14: {  	s2 =	sld [smem:$0x3F99];
	s0 =	simm.s32 @p1 $0x1  }
0x15: {  	[smem:$0x3FB6] =	sst s0;
	s0 =	simm.s32 @!p2 $0x0  }
0x16: {  	s3 =	sld [smem:$0x3FDB];
	s0 =	simm.s32 @p2 $0x1  }
0x17: {  	s4 =	simm.s32 $0x1BF5;
	[smem:$0x3FB8] =	sst s0  }
0x18: {  	s0 =	sld [smem:$0x3F9B];
	_ =	swait.ge [sflag:s4], $0x0  }
0x19: {  	s7 =	sld [smem:$0x3F9C]  }
0x1a: {  	s8 =	sadd.s32 $0xFFFFE003, lr  }
0x1b: {  	s9 =	sadd.s32 $0xFFFFFEF7, lr;
	s5 =	simm.s32 $0xFFFFFFFF;
	p2 =	slt.u32 s8, $0xFFFFF086  }
0x1c: {  	p1 =	slt.u32 s9, $0xF7A;
	s5 =	simm.s32 @!p2 $0x0  }
0x1d: {  	s5 =	simm.s32 @p1 $0x1;
	p0 =	seq.s32 s7, s2  }
0x1e: {  	s7 =	smul.u32 @!p0 $0xF7A, s2;
	p2 =	seq.s32 @!p0 s5, $0x0  }
0x1f: {  	s9 =	smul.u32 $0xF7A, s1;
	s8 =	simm.s32 @!p0 $0x1BF5;
	p2 =	por !p2, p0  }
0x20: {  	[sflag:s8] =	ssyncset.s32 @!p0 $0xFFFFF086;
	s6 =	sadd.s32 @!p0 s3, s7;
	s7 =	simm.s32 @!p0 $0x108  }
0x21: {  	s3 =	sadd.s32 s3, s9;
	s6 =	sadd.s32 @!p0 $0x88, s6;
	s7 =	simm.s32 @p2 $0x1082  }
0x22: {  	[simem:s7], [sflag:s8] =	dma.local @!p0 [hbm:s6], $0xF7A  }
0x23: {  	s9 =	sor.u32 $0xD0000000, s2;
	s6 =	simm.s32 $0x108;
	_ =	swait.ge @!p0 [sflag:s8], $0x0  }
0x24: {  	s3 =	sadd.s32 $0x88, s3;
	s6 =	simm.s32 @!p1 $0x1082;
	[sflag:s4] =	ssyncset.s32 $0xFFFFF086  }
0x25: {  	[simem:s6], [sflag:s4] =	dma.local [hbm:s3], $0xF7A  }
0x26: {  	[smem:$0x3F9C] =	sst s1;
	(tag) =	ssettag s2;
	_ =	strace s9  }
0x27: {  	s1 =	sld [smem:$0x3FAC]  }
0x28: {  	s2 =	sld [smem:$0x3FAD]  }
0x29: {  	s4 =	sld [smem:$0x3FAF]  }
0x2a: {  	p0 =	seq.s32 s5, $0x0;
	s5 =	sld [smem:$0x3FB0]  }
0x2b: {  	s6 =	sld [smem:$0x3FB1]  }
0x2c: {  	s7 =	sld [smem:$0x3FB2]  }
0x2d: {  	s3 =	simm.s32 $0x108;
	s8 =	sld [smem:$0x3FB3]  }
0x2e: {  	s3 =	simm.s32 @!p0 $0x1082;
	s9 =	sld [smem:$0x3FB4]  }
0x2f: {  	lr =	sadd.s32 s0, s3;
	s0 =	sld [smem:$0x3FAB]  }
0x30: {  	s3 =	sld [smem:$0x3FAE]  }
0x31: {  	[smem:$0x3FB7] =	sst s10  }
0x32: {  	s10 =	sld [smem:$0x3FB5];
	_ =	sdelay $0x3  }
0x33: {  	p0 =	seq.s32 s10, $0x1;
	s10 =	sld [smem:$0x3FB7];
	_ =	sdelay $0x3  }
0x34: {  	[smem:$0x3FB7] =	sst s10  }
0x35: {  	s10 =	sld [smem:$0x3FB6];
	_ =	sdelay $0x3  }
0x36: {  	p1 =	seq.s32 s10, $0x1;
	s10 =	sld [smem:$0x3FB7];
	_ =	sdelay $0x3  }
0x37: {  	[smem:$0x3FB7] =	sst s10  }
0x38: {  	s10 =	sld [smem:$0x3FB8]  }
0x39: {  	_ = 	snop;
	(pc) =	sbr.ind lr, $3  }
0x3a: {  	_ = 	snop  }
0x3b: {  	_ = 	snop  }
0x3c: {  	p2 =	seq.s32 s10, $0x1;
	s10 =	sld [smem:$0x3FB7]  }
0x3d: {  	_ =	shalt  }
0x3e: {  	_ =	shalt  }
0x3f: {  	_ =	shalt  }
0x40: {  	_ =	shalt  }
0x41: {  	_ =	shalt  }
0x42: {  	_ =	shalt  }
0x43: {  	_ =	shalt  }
0x44: {  	_ =	shalt  }
0x45: {  	_ =	shalt  }
0x46: {  	_ =	shalt  }
0x47: {  	_ =	shalt  }
0x48: {  	_ =	shalt  }
0x49: {  	_ =	shalt  }
0x4a: {  	_ =	shalt  }
0x4b: {  	_ =	shalt  }
0x4c: {  	_ =	shalt  }
0x4d: {  	_ =	shalt  }
0x4e: {  	_ =	shalt  }
0x4f: {  	_ =	shalt  }
0x50: {  	_ =	shalt  }
0x51: {  	_ =	shalt  }
0x52: {  	_ =	shalt  }
0x53: {  	_ =	shalt  }
0x54: {  	_ =	shalt  }
0x55: {  	_ =	shalt  }
0x56: {  	_ =	shalt  }
0x57: {  	_ =	shalt  }
0x58: {  	_ =	shalt  }
0x59: {  	_ =	shalt  }
0x5a: {  	_ =	shalt  }
0x5b: {  	_ =	shalt  }
0x5c: {  	_ =	shalt  }
0x5d: {  	_ =	shalt  }
0x5e: {  	_ =	shalt  }
0x5f: {  	_ =	shalt  }
0x60: {  	_ =	shalt  }
0x61: {  	_ =	shalt  }
0x62: {  	_ =	shalt  }
0x63: {  	_ =	shalt  }
0x64: {  	_ =	shalt  }
0x65: {  	_ =	shalt  }
0x66: {  	_ =	shalt  }
0x67: {  	_ =	shalt  }
0x68: {  	_ =	shalt  }
0x69: {  	_ =	shalt  }
0x6a: {  	_ =	shalt  }
0x6b: {  	_ =	shalt  }
0x6c: {  	_ =	shalt  }
0x6d: {  	_ =	shalt  }
0x6e: {  	_ =	shalt  }
0x6f: {  	_ =	shalt  }
0x70: {  	_ =	shalt  }
0x71: {  	_ =	shalt  }
0x72: {  	_ =	shalt  }
0x73: {  	_ =	shalt  }
0x74: {  	_ =	shalt  }
0x75: {  	_ =	shalt  }
0x76: {  	_ =	shalt  }
0x77: {  	_ =	shalt  }
0x78: {  	_ =	shalt  }
0x79: {  	_ =	shalt  }
0x7a: {  	_ =	shalt  }
0x7b: {  	_ =	shalt  }
0x7c: {  	_ =	shalt  }
0x7d: {  	_ =	shalt  }
0x7e: {  	_ =	shalt  }
0x7f: {  	_ =	shalt  }
0x80: {  	_ =	shalt  }
0x81: {  	_ =	shalt  }
0x82: {  	_ =	shalt  }
0x83: {  	_ =	shalt  }
0x84: {  	_ =	shalt  }
0x85: {  	_ =	shalt  }
0x86: {  	_ =	shalt  }
0x87: {  	_ =	shalt  }
.Lfunc_end0:
.L_simem_size_0:
called_computation_lowered:
.L_overlay_start_0:
0x88: {  	s2 =	sld [smem:$0x3FD9]  }
0x89: {  	s3 =	sld [smem:$0x3FFE];
	_ =	sdelay $0x1  }
0x8a: {  	s1 =	srdreg.scid  }
0x8b: {  	s0 =	sand.u32 $0x1, s1  }
0x8c: {  	s17 =	sshll.u32 s0, $0xA;
	s2 =	sadd.s32 s3, s2  }
0x8d: {  	s2 =	sadd.s32 s2, s17  }
0x8e: {  	[smem:$0x3FC3] =	sst s2  }
0x8f: {  	_ = 	snop  }
0x90: {  	s2 =	sld [smem:$0x3FC9]  }
0x91: {  	s18 =	sld [smem:$0x3FC8]  }
0x92: {  	s4 =	sld [smem:$0x3FC7]  }
0x93: {  	s5 =	sld [smem:$0x3FC6]  }
0x94: {  	s6 =	sld [smem:$0x3FC5];
	(tm) =	ssettm $0x1  }
0x95: {  	s7 =	sld [smem:$0x3FFB];
	_ =	sdelay $0x3  }
0x96: {  	_ =	strace s7  }
0x97: {  	s7 =	sld [smem:$0x3FFC];
	_ =	sdelay $0x3  }
0x98: {  	_ =	strace s7  }
0x99: {  	s7 =	sld [smem:$0x3FFD];
	_ =	sdelay $0x3  }
0x9a: {  	_ =	strace s7  }
0x9b: {  	_ =	strace $0x8FFFFFFF  }
0x9c: {  	s19 =	sld [smem:$0x3FDB];
	_ =	sdelay $0x1  }
0x9d: {  	s8 =	simm.s32 $_scs_section_size  }
0x9e: {  	s9 =	simm.s32 $_size__tile_overlayer_lowered;
	s10 =	simm.s32 $_tile_overlayer_lowered  }
0x9f: {  	s22 =	simm.s32 $0x1BFF;
	s21 =	sshll.u32 s10, $0x1;
	s7 =	sadd.s32 s8, s19  }
0xa0: {  	s11 =	simm.s32 $0x0;
	s20 =	sshll.u32 s9, $0x1;
	s9 =	sadd.s32 s21, s7  }
0xa1: {  	[timem:s11], [sflag:s22] =	dma.local [hbm:s9], s20  }
0xa2: {  	_ =	swait.ge [sflag:s22], s20  }
0xa3: {  	s8 =	ssub.s32 $0x0, s20;
	[sflag:s22] =	ssyncset.done $0x0  }
0xa4: {  	[sflag:s22] =	ssyncadd.s32 s8;
	_ =	sdelay $0x1  }
0xa5: {  	s23 =	simm.s32 $0x1B8B  }
0xa6: {  	_ =	swait.ge [sflag:s23], $0x1  }
0xa7: {  	[sflag:s23] =	ssyncset.done $0x0  }
0xa8: {  	s25 =	simm.s32 $0x1B8E;
	s24 =	sld [smem:$0x3FFE];
	[sflag:s23] =	ssyncadd.s32 $0xFFFFFFFF  }
0xa9: {  	s26 =	simm.s32 $execute0_lowered;
	[smem:$0x3FD2] =	sst s25  }
0xaa: {  	s9 =	sshll.u32 s26, $0x1;
	_ =	strace $0x80000046;
	[dreg:$0x1] =	wrdreg $0xFFFFFFFF  }
0xab: {  	s28 =	simm.s32 $_size_execute0_lowered;
	s7 =	sadd.s32 s7, s9;
	[dreg:$0x0] =	wrdreg $0x0  }
0xac: {  	s9 =	sshll.u32 s28, $0x1;
	[dreg:$0x2] =	wrdreg s7  }
0xad: {  	[dreg:$0x3] =	wrdreg s9  }
0xae: {  	[dreg:$0x4] =	wrdreg $0xC0  }
0xaf: {  	_ =	task [dreg:s11], $0x5FFFF  }
0xb0: {  	[dreg:$0x1] =	wrdreg $0xFFFFFFFF  }
0xb1: {  	[dreg:$0x0] =	wrdreg $0x60  }
0xb2: {  	[dreg:$0x2] =	wrdreg s2  }
0xb3: {  	[dreg:$0x3] =	wrdreg s18  }
0xb4: {  	[dreg:$0x4] =	wrdreg s4  }
0xb5: {  	[dreg:$0x5] =	wrdreg s5  }
0xb6: {  	[dreg:$0x6] =	wrdreg s6  }
0xb7: {  	[dreg:$0x7] =	wrdreg s24  }
0xb8: {  	[dreg:$0x8] =	wrdreg $0x0  }
0xb9: {  	[dreg:$0x9] =	wrdreg $0x51600  }
0xba: {  	[dreg:$0xa] =	wrdreg $0xA2C00  }
0xbb: {  	[dreg:$0xb] =	wrdreg $0x9  }
0xbc: {  	_ =	task.clear_ibuf [dreg:s11], $0xCFFFF;
	_ =	strace $0x90000046  }
0xbd: {  	s29 =	simm.s32 $0x9;
	_ =	strace $0x80000048  }
0xbe: {  	_ =	swait.ge [sflag:s29], $0x1  }
0xbf: {  	[sflag:s29] =	ssyncadd.s32 $0xFFFFFFFF  }
0xc0: {  	_ =	strace $0x90000048  }
0xc1: {  	_ =	sfence  }
0xc2: {  	s30 =	sld [smem:$0x0];
	_ =	sdelay $0x2  }
0xc3: {  	s31 =	sshll.u32 s1, $0xD;
	s1 =	sshrl.u32 s1, $0x2  }
0xc4: {  	s3 =	sand.u32 $0x4000, s31;
	s1 =	sadd.s32 s1, s30  }
0xc5: {  	s0 =	sor.u32 s3, s0;
	s1 =	sshll.u32 s1, $0x11  }
0xc6: {  	s0 =	sor.u32 s1, s0  }
0xc7: {  	s0 =	sadd.s32 $0x8F2B, s0  }
0xc8: {  	[sflag:s0] =	ssyncadd.remote.s32 $0x1  }
0xc9: {  	_ =	sfence.sel $0xFFFF  }
0xca: {  	[dreg:$0x0] =	wrdreg $0xFFFFFFFF;
	(pc) =	sbr.abs _section_cstart, $3  }
0xcb: {  	[dreg:$0x1] =	wrdreg $0xFFFFFFFF  }
0xcc: {  	_ =	task.clear_ibuf [dreg:s11], $0x2FFFF;
	_ =	strace $0x9FFFFFFF  }
0xcd: {  	(tm) =	ssettm $0x7FFFFFFF  }
tec
execute0_lowered:
.L_overlay_start_1:
0x0: {  	(tag) =	ssettag $0x1  }
0x1: {  	s1 =	rddreg [dreg:$0x0]  }
0x2: {  	s6 =	rddreg [dreg:$0x1]  }
0x3: {  	s7 =	rddreg [dreg:$0x2]  }
0x4: {  	s0 =	rddreg [dreg:$0x3]  }
0x5: {  	s2 =	rddreg [dreg:$0x4]  }
0x6: {  	s8 =	rddreg [dreg:$0x5]  }
0x7: {  	s3 =	rddreg [dreg:$0x6]  }
0x8: {  	s4 =	rddreg [dreg:$0x7]  }
0x9: {  	s5 =	rddreg [dreg:$0x8];
	s16 =	simm.s32 $0x0  }
0xa: {  	s10 =	srdreg.scid;
	[smem:$0x7FF] =	sst s16  }
0xb: {  	s9 =	sadd.s32 $0xC00, s8;
	s11 =	sadd.s32 $0xE00, s8;
	s10 =	sand.u32 $0x1, s10  }
0xc: {  	s20 =	sadd.s32 $0x28B00, s4;
	_ =	strace $0x80000047;
	[dreg:$0xa] =	wrdreg s9  }
0xd: {  	s9 =	stileid.u32;
	[dreg:$0xb] =	wrdreg s11;
	s13 =	ssub.s32 $0x2, s10  }
0xe: {  	s14 =	smul.u32 $0x1E85000, s10;
	s17 =	sshll.u32 s10, $0x5;
	[dreg:$0x14] =	wrdreg s20  }
0xf: {  	s23 =	sshll.u32 s9, $0x7;
	s12 =	sshll.u32 s9, $0x1;
	s24 =	sshrl.u32 s13, $0x1  }
0x10: {  	[dreg:$0xc] =	wrdreg s17;
	s15 =	sadd.s32 s23, s8;
	s1 =	sadd.s32 s1, s23  }
0x11: {  	s8 =	sadd.s32 s12, s8;
	s26 =	sadd.s32 s6, s23;
	[dreg:$0xd] =	wrdreg s1  }
0x12: {  	s12 =	ssub.s32 s13, s24;
	s13 =	sadd.s32 s7, s23;
	[dreg:$0xe] =	wrdreg s26  }
0x13: {  	s25 =	sshrl.u32 s14, $0x3;
	s14 =	sadd.s32 $0x28B00, s3;
	[dreg:$0x10] =	wrdreg s13  }
0x14: {  	s23 =	sadd.s32 $0x28B00, s5;
	[dreg:$0x11] =	wrdreg s14  }
0x15: {  	s28 =	sadd.s32 s0, s25;
	[dreg:$0x17] =	wrdreg s23  }
0x16: {  	s30 =	simm.s32 $0x134A0;
	s18 =	sadd.s32 $0x28B00, s28;
	[dreg:$0xf] =	wrdreg s28  }
0x17: {  	s31 =	simm.s32 $0x144A0;
	s19 =	sadd.s32 $0x51600, s28;
	[dreg:$0x12] =	wrdreg s18  }
0x18: {  	s29 =	simm.s32 $0x4;
	s21 =	sadd.s32 $0x7A100, s28;
	[dreg:$0x13] =	wrdreg s19  }
0x19: {  	s24 =	sshll.u32 s10, $0xB;
	s22 =	sadd.s32 $0xA2C00, s28;
	[dreg:$0x15] =	wrdreg s21  }
0x1a: {  	s1 =	sadd.s32 s24, s15;
	s6 =	sadd.s32 $0xCB700, s28;
	[dreg:$0x16] =	wrdreg s22  }
0x1b: {  	s25 =	sadd.s32 s17, s8;
	s1 =	sadd.s32 $0x1000, s1;
	[dreg:$0x18] =	wrdreg s6  }
0x1c: {  	p0 =	sne.s32 s9, $0x0;
	s26 =	sadd.s32 $0x2000, s25;
	[dreg:$0x19] =	wrdreg s1  }
0x1d: {  	p1 =	seq.s32 s9, $0x0;
	s28 =	smax.u32 s12, $0x1;
	[dreg:$0x1a] =	wrdreg s26  }
0x1e: {  	s7 =	simm.s32 $0x0;
	s8 =	simm.s32 $0x5;
	[dreg:$0x1b] =	wrdreg s28  }
0x1f: {  	v0 =	vimm.f32 $0.0e+00;
	s1 =	simm.s32 $0x400;
	s22 =	simm.s32 $0x11020;
	s26 =	simm.s32 $0x11C20  }
.LBB2_1:
0x20: {  	[dreg:$0x1c] =	wrdreg s7  }
0x21: {  	s6 =	rddreg [dreg:$0xd];
	s19 =	simm.s32 $0xF420  }
0x22: {  	[tilespmem:s19], [sflag:$0x5] =	stream.linear.gather [hbm4b:s6+s16], $0x400, $0x38;
	[tilespmem:$0x154A0] =	vst v63  }
0x23: {  	_ =	swait.ge [sflag:s8], $0x400  }
0x24: {  	[sflag:s8] =	ssyncset.done $0x0  }
0x25: {  	s21 =	simm.s32 $0xF820;
	s20 =	rddreg [dreg:$0xe];
	[sflag:s8] =	ssyncadd.s32 $0xFFFFFC00  }
0x26: {  	[tilespmem:s21], [sflag:$0x5] =	stream.linear.gather [hbm4b:s20+s16], $0x400, $0x38;
	[tilespmem:$0x154A0] =	vst v63  }
0x27: {  	_ =	swait.ge [sflag:s8], $0x400  }
0x28: {  	[sflag:s8] =	ssyncset.done $0x0  }
0x29: {  	s24 =	simm.s32 $0xFC20;
	s23 =	rddreg [dreg:$0x10];
	[sflag:s8] =	ssyncadd.s32 $0xFFFFFC00  }
0x2a: {  	[tilespmem:s24], [sflag:$0x5] =	stream.linear.gather [hbm4b:s23+s16], $0x400, $0x38;
	[tilespmem:$0x154A0] =	vst v63  }
0x2b: {  	_ =	swait.ge [sflag:s8], $0x400  }
0x2c: {  	[sflag:s8] =	ssyncset.done $0x0  }
0x2d: {  	s25 =	rddreg [dreg:$0xa];
	[sflag:s8] =	ssyncadd.s32 $0xFFFFFC00  }
0x2e: {  	[tilespmem:s30], [sflag:$0x5] =	stream.linear.gather [hbm4b:s25+s16], $0x1000, $0x38;
	[tilespmem:$0x154A0] =	vst v63  }
0x2f: {  	_ =	swait.ge [sflag:s8], $0x1000  }
0x30: {  	[sflag:s8] =	ssyncset.done $0x0  }
0x31: {  	s28 =	rddreg [dreg:$0xb];
	[sflag:s8] =	ssyncadd.s32 $0xFFFFF000  }
0x32: {  	[tilespmem:s31], [sflag:$0x5] =	stream.linear.gather [hbm4b:s28+s16], $0x1000, $0x38;
	[tilespmem:$0x154A0] =	vst v63  }
0x33: {  	_ =	swait.ge [sflag:s8], $0x1000  }
0x34: {  	[sflag:s8] =	ssyncset.done $0x0  }
0x35: {  	s7 =	simm.s32 $0x0;
	[sflag:s8] =	ssyncadd.s32 $0xFFFFF000  }
0x36: {  	v1 =	vld [tilespmem:s7+$0xFC20]  }
0x37: {  	v4 =	vld [tilespmem:s7+$0xF420]  }
0x38: {  	v2 =	vld [tilespmem:s7+$0xF820];
	_ =	sdelay $0x3  }
0x39: {  	vm0 =	vlt.u32 v1, $0x51600;
	v3 =	vadd.s32 $0xFFFAEA00, v1;
	v9 =	vadd.s32 $0xFFF5D400, v1  }
0x3a: {  	v8 =	vadd.s32 $0xFFFAEA00, v4;
	v6 =	vadd.s32 $0xFFF5D400, v4;
	v7 =	vadd.s32 $0xFFFAEA00, v2  }
0x3b: {  	v5 =	vadd.s32 $0xFFF5D400, v2;
	vm1 =	vlt.u32 v9, $0x51600;
	vm6 =	vlt.u32 v8, $0x51600  }
0x3c: {  	[tilespmem:s7+$0x13020] =	vst v0;
	vm3 =	vlt.u32 v6, $0x51600;
	vm2 =	vlt.u32 v7, $0x51600;
	v9 =	vnsel vm1, $0x7FFFFFFF, v9  }
0x3d: {  	s9 =	simm.s32 $0x80;
	s6 =	simm.s32 $0x10;
	vm5 =	vlt.u32 v5, $0x51600;
	vm4 =	vlt.u32 v3, $0x51600;
	vm1 =	vlt.u32 v4, $0x51600;
	[tilespmem:s7+$0x12020] =	vst v9  }
.LBB2_2:
0x3e: {  	p2 =	sne.s32 s9, $0xFC0;
	v9 =	vld [tilespmem:s6+$0xFC20];
	[tilespmem:s6+$0x13020] =	vst v0;
	v8 =	vnsel vm6, $0x7FFFFFFF, v8;
	v6 =	vnsel vm3, $0x7FFFFFFF, v6;
	vm3 =	vlt.u32 v2, $0x51600  }
0x3f: {  	v7 =	vnsel vm2, $0x7FFFFFFF, v7;
	v5 =	vnsel vm5, $0x7FFFFFFF, v5;
	v10 =	vld [tilespmem:s6+$0xF420];
	[tilespmem:s7+$0x10420] =	vst v8;
	v8 =	vnsel vm4, $0x7FFFFFFF, v3  }
0x40: {  	v4 =	vnsel vm1, $0x7FFFFFFF, v4;
	v12 =	vnsel vm0, $0x7FFFFFFF, v1;
	v11 =	vnsel vm3, $0x7FFFFFFF, v2;
	[tilespmem:s7+$0x10820] =	vst v6;
	v2 =	vld [tilespmem:s6+$0xF820]  }
0x41: {  	[tilespmem:s7+$0x11020] =	vst v7  }
0x42: {  	[tilespmem:s7+$0x11420] =	vst v5  }
.Ltmp0:
0x43: {  	vm0 =	vlt.u32 v9, $0x51600;
	v3 =	vadd.s32 $0xFFFAEA00, v9;
	v13 =	vadd.s32 $0xFFF5D400, v9;
	[tilespmem:s7+$0x11C20] =	vst v8;
	v1 =	vmovc v9;
	(pc) =	sbr.rel @p2 .LBB2_2-.Ltmp0, $4  }
0x44: {  	v8 =	vadd.s32 $0xFFFAEA00, v10;
	v6 =	vadd.s32 $0xFFF5D400, v10;
	vm1 =	vlt.u32 v13, $0x51600;
	[tilespmem:s7+$0x10020] =	vst v4;
	v4 =	vmovc v10  }
0x45: {  	v7 =	vadd.s32 $0xFFFAEA00, v2;
	v5 =	vadd.s32 $0xFFF5D400, v2;
	v9 =	vnsel vm1, $0x7FFFFFFF, v13;
	[tilespmem:s7+$0x10C20] =	vst v11  }
0x46: {  	vm6 =	vlt.u32 v8, $0x51600;
	vm3 =	vlt.u32 v6, $0x51600;
	vm2 =	vlt.u32 v7, $0x51600;
	[tilespmem:s6+$0x12020] =	vst v9  }
0x47: {  	vm4 =	vlt.u32 v3, $0x51600;
	vm1 =	vlt.u32 v4, $0x51600;
	vm5 =	vlt.u32 v5, $0x51600;
	[tilespmem:s7+$0x11820] =	vst v12;
	s7 =	smov.u32 s6;
	s6 =	sshra.s32 s9, $0x2;
	s9 =	sadd.s32 $0x40, s9  }
0x48: {  	v9 =	vld [tilespmem:s6+$0xFC20];
	[tilespmem:s6+$0x13020] =	vst v0;
	v8 =	vnsel vm6, $0x7FFFFFFF, v8  }
0x49: {  	v10 =	vld [tilespmem:s6+$0xF420];
	v6 =	vnsel vm3, $0x7FFFFFFF, v6;
	[tilespmem:s7+$0x10420] =	vst v8  }
0x4a: {  	v7 =	vnsel vm2, $0x7FFFFFFF, v7;
	v8 =	vld [tilespmem:s6+$0xF820];
	[tilespmem:s7+$0x10820] =	vst v6  }
0x4b: {  	v5 =	vnsel vm5, $0x7FFFFFFF, v5;
	[tilespmem:s7+$0x11020] =	vst v7  }
0x4c: {  	v3 =	vnsel vm4, $0x7FFFFFFF, v3;
	[tilespmem:s7+$0x11420] =	vst v5  }
0x4d: {  	vm6 =	vlt.u32 v2, $0x51600;
	v4 =	vnsel vm1, $0x7FFFFFFF, v4;
	[tilespmem:s7+$0x11C20] =	vst v3;
	v61 =	vadd.s32 $0xFFF5D400, v9  }
0x4e: {  	v2 =	vnsel vm6, $0x7FFFFFFF, v2;
	[tilespmem:s7+$0x10020] =	vst v4;
	vm7 =	vlt.u32 v61, $0x51600  }
0x4f: {  	[tilespmem:s7+$0x10C20] =	vst v2;
	v3 =	vadd.s32 $0xFFFAEA00, v10;
	v62 =	vnsel vm7, $0x7FFFFFFF, v61  }
0x50: {  	v1 =	vnsel vm0, $0x7FFFFFFF, v1;
	v2 =	vadd.s32 $0xFFF5D400, v10;
	vm8 =	vlt.u32 v3, $0x51600;
	[tilespmem:s6+$0x12020] =	vst v62  }
0x51: {  	vm9 =	vlt.u32 v2, $0x51600;
	v63 =	vadd.s32 $0xFFFAEA00, v8;
	[tilespmem:s7+$0x11820] =	vst v1;
	v1 =	vnsel vm8, $0x7FFFFFFF, v3  }
0x52: {  	v2 =	vnsel vm9, $0x7FFFFFFF, v2;
	vm10 =	vlt.u32 v63, $0x51600;
	v3 =	vadd.s32 $0xFFF5D400, v8;
	[tilespmem:s6+$0x10420] =	vst v1  }
0x53: {  	v4 =	vnsel vm10, $0x7FFFFFFF, v63;
	v1 =	vadd.s32 $0xFFFAEA00, v9;
	vm11 =	vlt.u32 v3, $0x51600;
	[tilespmem:s6+$0x10820] =	vst v2  }
0x54: {  	[tilespmem:s6+$0x11020] =	vst v4;
	vm12 =	vlt.u32 v1, $0x51600;
	v2 =	vnsel vm11, $0x7FFFFFFF, v3  }
0x55: {  	vm13 =	vlt.u32 v10, $0x51600;
	v1 =	vnsel vm12, $0x7FFFFFFF, v1;
	[tilespmem:s6+$0x11420] =	vst v2  }
0x56: {  	vm14 =	vlt.u32 v8, $0x51600;
	v2 =	vnsel vm13, $0x7FFFFFFF, v10;
	[tilespmem:s6+$0x11C20] =	vst v1  }
0x57: {  	s8 =	sshrl.u32 @!p0 s3, $0x3;
	vm15 =	vlt.u32 v9, $0x51600;
	v1 =	vnsel vm14, $0x7FFFFFFF, v8;
	[tilespmem:s6+$0x10020] =	vst v2  }
0x58: {  	s25 =	simm.s32 @!p0 $0x1;
	s28 =	simm.s32 @!p0 $0x10;
	[dreg:$0x1d] =	wrdreg s8;
	v2 =	vnsel vm15, $0x7FFFFFFF, v9;
	[tilespmem:s6+$0x10C20] =	vst v1  }
0x59: {  	s9 =	simm.s32 @!p0 $0x1C01;
	s7 =	simm.s32 @!p0 $0x80;
	[tilespmem:s6+$0x11820] =	vst v2;
	s6 =	rddreg [dreg:$0xf]  }
0x5a: {  	[spmem:s8@s28], [sflag:s9] =	dma.strided @!p0 [hbm:s6@s7], $0x5160, s25, $0x10   }
0x5b: {  	s6 =	rddreg [dreg:$0x11]  }
0x5c: {  	s8 =	sshrl.u32 @!p0 s6, $0x3;
	s6 =	rddreg [dreg:$0x12]  }
0x5d: {  	[dreg:$0x1e] =	wrdreg s8  }
0x5e: {  	[spmem:s8@s28], [sflag:s9] =	dma.strided @!p0 [hbm:s6@s7], $0x5160, s25, $0x10   }
0x5f: {  	s21 =	sshrl.u32 @!p0 s4, $0x3;
	s8 =	simm.s32 @!p0 $0x1C02;
	s6 =	rddreg [dreg:$0x13]  }
0x60: {  	[spmem:s21@s28], [sflag:s8] =	dma.strided @!p0 [hbm:s6@s7], $0x5160, s25, $0x10   }
0x61: {  	s6 =	rddreg [dreg:$0x14]  }
0x62: {  	s23 =	sshrl.u32 @!p0 s6, $0x3;
	s6 =	rddreg [dreg:$0x15]  }
0x63: {  	[spmem:s23@s28], [sflag:s8] =	dma.strided @!p0 [hbm:s6@s7], $0x5160, s25, $0x10   }
0x64: {  	s12 =	sshrl.u32 @!p0 s5, $0x3;
	s14 =	simm.s32 @!p0 $0x1C03;
	s6 =	rddreg [dreg:$0x16]  }
0x65: {  	[spmem:s12@s28], [sflag:s14] =	dma.strided @!p0 [hbm:s6@s7], $0x5160, s25, $0x10   }
0x66: {  	s6 =	rddreg [dreg:$0x17]  }
0x67: {  	s17 =	simm.s32 $0x0;
	s8 =	rddreg [dreg:$0x18];
	s6 =	sshrl.u32 @!p0 s6, $0x3  }
0x68: {  	v1 =	vimm.f32 $0.0e+00;
	[spmem:s6@s28], [sflag:s14] =	dma.strided @!p0 [hbm:s8@s7], $0x5160, s25, $0x10   }
.LBB2_4:
0x69: {  	[bflag:$0x0] =	sbarrier.arrive @p0 $0xFFFF  }
0x6a: {  	s13 =	simm.s32 @p0 $0x400;
	s9 =	simm.s32 @p0 $0x10020;
	(ifvalue) =	ssetifvalue @p0 $0x7FFFFFFF  }
0x6b: {  	s15 =	simm.s32 @p0 $0x12420;
	s20 =	simm.s32 @p0 $0x4;
	(ifvalue) =	ssetifvalue @p0 $0x7FFFFFFF  }
0x6c: {  	[tilespmem:s15], [sflag:$0x4] =	stream.indirect.gather @p0 [spmem:s3], $0x1, s9, s13, $0x40b8;
	[tilespmem:$0x154A0] =	vst v63  }
0x6d: {  	_ =	swait.ge @p0 [sflag:s20], $0x400  }
0x6e: {  	[sflag:s20] =	ssyncset.done @p0 $0x0  }
0x6f: {  	[sflag:s20] =	ssyncadd.s32 @p0 $0xFFFFFC00  }
0x70: {  	[bflag:$0x0] =	sbarrier.arrive @p0 $0xFFFF  }
0x71: {  	_ =	swait.ge @!p0 [sflag:s25], $0xA2C0  }
0x72: {  	[sflag:s25] =	ssyncset.done @!p0 $0x0  }
0x73: {  	[sflag:s25] =	ssyncadd.s32 @!p0 $0xFFFF5D40  }
0x74: {  	s16 =	simm.s32 @!p0 $0x400;
	[bflag:$0x0] =	sbarrier.arrive @!p0 $0xFFFF  }
0x75: {  	s19 =	simm.s32 @!p0 $0x10020;
	(ifvalue) =	ssetifvalue @!p0 $0x7FFFFFFF;
	s8 =	rddreg [dreg:$0xc]  }
0x76: {  	s24 =	simm.s32 @!p0 $0x12420;
	s9 =	sadd.s32 s8, s17;
	(ifvalue) =	ssetifvalue @!p0 $0x7FFFFFFF  }
0x77: {  	[tilespmem:s24], [sflag:$0x4] =	stream.indirect.gather @!p0 [spmem:s3], $0x1, s19, s16, $0x40b8;
	[tilespmem:$0x154A0] =	vst v63  }
0x78: {  	s10 =	simm.s32 @!p0 $0x4;
	s19 =	sshrl.u32 @!p0 s9, $0x3  }
0x79: {  	s8 =	sshll.u32 @!p0 s17, $0x7;
	_ =	swait.ge @!p0 [sflag:s10], $0x400;
	s19 =	smul.u32 @!p0 $0x7A1400, s19  }
0x7a: {  	s8 =	sand.u32 @!p0 $0x380, s8;
	[sflag:s10] =	ssyncset.done @!p0 $0x0  }
0x7b: {  	[sflag:s10] =	ssyncadd.s32 @!p0 $0xFFFFFC00;
	s8 =	sor.u32 @!p0 s8, s19  }
0x7c: {  	[bflag:$0x0] =	sbarrier.arrive @!p0 $0xFFFF;
	s19 =	sshrl.u32 @!p0 s8, $0x3  }
0x7d: {  	s18 =	simm.s32 @!p0 $0x1C01;
	s11 =	rddreg [dreg:$0x1d];
	s19 =	sadd.s32 @!p0 s2, s19  }
0x7e: {  	[spmem:s11@s28], [sflag:s18] =	dma.strided @!p0 [hbm:s19@s7], $0x5160, s25, $0x10   }
0x7f: {  	s19 =	sadd.s32 @!p0 $0x145800, s8  }
0x80: {  	s19 =	sshrl.u32 @!p0 s19, $0x3  }
0x81: {  	s11 =	rddreg [dreg:$0x1e];
	s19 =	sadd.s32 @!p0 s2, s19  }
0x82: {  	[spmem:s11@s28], [sflag:s18] =	dma.strided @!p0 [hbm:s19@s7], $0x5160, s25, $0x10   }
0x83: {  	s19 =	simm.s32 @!p0 $0x2  }
0x84: {  	_ =	swait.ge @!p0 [sflag:s19], $0xA2C0  }
0x85: {  	[sflag:s19] =	ssyncset.done @!p0 $0x0  }
0x86: {  	[sflag:s19] =	ssyncadd.s32 @!p0 $0xFFFF5D40  }
0x87: {  	[bflag:$0x0] =	sbarrier.arrive $0xFFFF  }
0x88: {  	(ifvalue) =	ssetifvalue $0x7FFFFFFF  }
0x89: {  	s11 =	simm.s32 $0x10420;
	s18 =	simm.s32 $0x12420;
	(ifvalue) =	ssetifvalue $0x7FFFFFFF  }
0x8a: {  	[tilespmem:s18], [sflag:$0x4] =	stream.indirect.gather [spmem:s4], $0x1, s11, s1, $0x40b8;
	[tilespmem:$0x154A0] =	vst v63  }
0x8b: {  	_ =	swait.ge [sflag:s29], $0x400  }
0x8c: {  	[sflag:s29] =	ssyncset.done $0x0  }
0x8d: {  	[sflag:s29] =	ssyncadd.s32 $0xFFFFFC00  }
0x8e: {  	[bflag:$0x0] =	sbarrier.arrive $0xFFFF  }
0x8f: {  	[bflag:$0x0] =	sbarrier.arrive @p0 $0xFFFF  }
0x90: {  	(ifvalue) =	ssetifvalue @p0 $0x7FFFFFFF  }
0x91: {  	s19 =	simm.s32 @p0 $0x10820;
	(ifvalue) =	ssetifvalue @p0 $0x7FFFFFFF  }
0x92: {  	[tilespmem:s15], [sflag:$0x4] =	stream.indirect.gather @p0 [spmem:s5], $0x1, s19, s13, $0x40b8;
	[tilespmem:$0x154A0] =	vst v63  }
0x93: {  	_ =	swait.ge @p0 [sflag:s20], $0x400  }
0x94: {  	s13 =	sadd.s32 @!p0 $0x28B000, s8;
	[sflag:s20] =	ssyncset.done @p0 $0x0  }
0x95: {  	s13 =	sshrl.u32 @!p0 s13, $0x3;
	[sflag:s20] =	ssyncadd.s32 @p0 $0xFFFFFC00  }
0x96: {  	s11 =	simm.s32 @!p0 $0x1C02;
	s13 =	sadd.s32 @!p0 s2, s13;
	[bflag:$0x0] =	sbarrier.arrive @p0 $0xFFFF  }
0x97: {  	[spmem:s21@s28], [sflag:s11] =	dma.strided @!p0 [hbm:s13@s7], $0x5160, s25, $0x10   }
0x98: {  	s13 =	sadd.s32 @!p0 $0x3D0800, s8  }
0x99: {  	s13 =	sshrl.u32 @!p0 s13, $0x3  }
0x9a: {  	s13 =	sadd.s32 @!p0 s2, s13  }
0x9b: {  	[spmem:s23@s28], [sflag:s11] =	dma.strided @!p0 [hbm:s13@s7], $0x5160, s25, $0x10   }
0x9c: {  	s13 =	simm.s32 @!p0 $0x3  }
0x9d: {  	_ =	swait.ge @!p0 [sflag:s13], $0xA2C0  }
0x9e: {  	[sflag:s13] =	ssyncset.done @!p0 $0x0  }
0x9f: {  	[sflag:s13] =	ssyncadd.s32 @!p0 $0xFFFF5D40  }
0xa0: {  	[bflag:$0x0] =	sbarrier.arrive @!p0 $0xFFFF  }
0xa1: {  	(ifvalue) =	ssetifvalue @!p0 $0x7FFFFFFF  }
0xa2: {  	s13 =	simm.s32 @!p0 $0x10820;
	(ifvalue) =	ssetifvalue @!p0 $0x7FFFFFFF  }
0xa3: {  	[tilespmem:s24], [sflag:$0x4] =	stream.indirect.gather @!p0 [spmem:s5], $0x1, s13, s16, $0x40b8;
	[tilespmem:$0x154A0] =	vst v63  }
0xa4: {  	_ =	swait.ge @!p0 [sflag:s10], $0x400  }
0xa5: {  	s13 =	sadd.s32 @!p0 $0x516000, s8;
	s8 =	sadd.s32 @!p0 $0x65B800, s8;
	[sflag:s10] =	ssyncset.done @!p0 $0x0  }
0xa6: {  	s8 =	sshrl.u32 @!p0 s8, $0x3;
	[sflag:s10] =	ssyncadd.s32 @!p0 $0xFFFFFC00;
	s10 =	sshrl.u32 @!p0 s13, $0x3  }
0xa7: {  	s8 =	sadd.s32 @!p0 s2, s8;
	[bflag:$0x0] =	sbarrier.arrive @!p0 $0xFFFF;
	s10 =	sadd.s32 @!p0 s2, s10  }
0xa8: {  	[spmem:s12@s28], [sflag:s14] =	dma.strided @!p0 [hbm:s10@s7], $0x5160, s25, $0x10   }
0xa9: {  	[spmem:s6@s28], [sflag:s14] =	dma.strided @!p0 [hbm:s8@s7], $0x5160, s25, $0x10   }
0xaa: {  	_ =	swait.ge @!p0 [sflag:s25], $0xA2C0  }
0xab: {  	[sflag:s25] =	ssyncset.done @!p0 $0x0  }
0xac: {  	[sflag:s25] =	ssyncadd.s32 @!p0 $0xFFFF5D40  }
0xad: {  	[bflag:$0x0] =	sbarrier.arrive $0xFFFF  }
0xae: {  	(ifvalue) =	ssetifvalue $0x7FFFFFFF  }
0xaf: {  	s19 =	simm.s32 $0x10C20;
	s11 =	simm.s32 $0x12820;
	(ifvalue) =	ssetifvalue $0x7FFFFFFF  }
0xb0: {  	[tilespmem:s11], [sflag:$0x4] =	stream.indirect.gather [spmem:s3], $0x1, s19, s1, $0x40b8;
	[tilespmem:$0x154A0] =	vst v63  }
0xb1: {  	(ifvalue) =	ssetifvalue $0x7FFFFFFF  }
0xb2: {  	s20 =	simm.s32 $0x11820;
	s19 =	simm.s32 $0x12C20;
	(ifvalue) =	ssetifvalue $0x7FFFFFFF  }
0xb3: {  	[tilespmem:s19], [sflag:$0x4] =	stream.indirect.gather [spmem:s3], $0x1, s20, s1, $0x40b8;
	[tilespmem:$0x154A0] =	vst v63  }
0xb4: {  	p2 =	sne.s32 s17, $0x1F;
	_ =	swait.ge [sflag:s29], $0x400  }
0xb5: {  	p2 =	por !p1, !p2;
	[sflag:s29] =	ssyncset.done $0x0  }
0xb6: {  	p2 =	por !p2, !p2;
	[sflag:s29] =	ssyncadd.s32 $0xFFFFFC00  }
.Ltmp1:
0xb7: {  	_ =	swait.ge [sflag:s29], $0x400;
	(pc) =	sbr.rel @!p2 .LBB2_6-.Ltmp1, $4  }
0xb8: {  	[sflag:s29] =	ssyncset.done $0x0  }
0xb9: {  	[sflag:s29] =	ssyncadd.s32 $0xFFFFFC00  }
0xba: {  	s24 =	sadd.s32 $0x1, s9;
	[bflag:$0x0] =	sbarrier.arrive $0xFFFF  }
0xbb: {  	s15 =	sshll.u32 s24, $0x7;
	s13 =	sshrl.u32 s24, $0x3  }
0xbc: {  	s8 =	smul.u32 $0x7A1400, s13  }
0xbd: {  	s10 =	sand.u32 $0x380, s15  }
0xbe: {  	s16 =	sshrl.u32 s3, $0x3;
	s8 =	sor.u32 s10, s8  }
0xbf: {  	s20 =	simm.s32 $0x1;
	s24 =	simm.s32 $0x10;
	s10 =	sshrl.u32 s8, $0x3  }
0xc0: {  	s26 =	simm.s32 $0x80;
	s22 =	simm.s32 $0x1C01;
	s10 =	sadd.s32 s0, s10  }
0xc1: {  	[spmem:s16@s24], [sflag:s22] =	dma.strided [hbm:s10@s26], $0x5160, s20, $0x10   }
.Ltmp2:
0xc2: {  	s8 =	sadd.s32 $0x145800, s8;
	(pc) =	sbr.rel .LBB2_7-.Ltmp2, $4  }
0xc3: {  	s8 =	sshrl.u32 s8, $0x3;
	s10 =	rddreg [dreg:$0x11]  }
0xc4: {  	s8 =	sadd.s32 s0, s8;
	s10 =	sshrl.u32 s10, $0x3  }
0xc5: {  	[spmem:s10@s24], [sflag:s22] =	dma.strided [hbm:s8@s26], $0x5160, s20, $0x10   }
0xc6: {  	s26 =	simm.s32 $0x11C20;
	s22 =	simm.s32 $0x11020  }
.LBB2_6:
.Ltmp3:
0xc7: {  	(pc) =	sbr.rel @p0 .LBB2_8-.Ltmp3, $1  }
0xc8: {  	_ =	sdelay $0x3  }
.LBB2_7:
0xc9: {  	s8 =	simm.s32 $0x2  }
0xca: {  	_ =	swait.ge [sflag:s8], $0xA2C0  }
0xcb: {  	[sflag:s8] =	ssyncset.done $0x0  }
0xcc: {  	[sflag:s8] =	ssyncadd.s32 $0xFFFF5D40  }
.LBB2_8:
0xcd: {  	[bflag:$0x0] =	sbarrier.arrive $0xFFFF  }
0xce: {  	(ifvalue) =	ssetifvalue $0x7FFFFFFF  }
0xcf: {  	(ifvalue) =	ssetifvalue $0x7FFFFFFF  }
0xd0: {  	[tilespmem:s11], [sflag:$0x4] =	stream.indirect.gather [spmem:s4], $0x1, s22, s1, $0x40b8;
	[tilespmem:$0x154A0] =	vst v63  }
0xd1: {  	(ifvalue) =	ssetifvalue $0x7FFFFFFF  }
0xd2: {  	(ifvalue) =	ssetifvalue $0x7FFFFFFF  }
0xd3: {  	[tilespmem:s19], [sflag:$0x4] =	stream.indirect.gather [spmem:s4], $0x1, s26, s1, $0x40b8;
	[tilespmem:$0x154A0] =	vst v63  }
0xd4: {  	_ =	swait.ge [sflag:s29], $0x400  }
0xd5: {  	[sflag:s29] =	ssyncset.done $0x0  }
0xd6: {  	[sflag:s29] =	ssyncadd.s32 $0xFFFFFC00  }
.Ltmp4:
0xd7: {  	_ =	swait.ge [sflag:s29], $0x400;
	(pc) =	sbr.rel @!p2 .LBB2_10-.Ltmp4, $3  }
0xd8: {  	[sflag:s29] =	ssyncset.done $0x0  }
0xd9: {  	[sflag:s29] =	ssyncadd.s32 $0xFFFFFC00  }
0xda: {  	[bflag:$0x0] =	sbarrier.arrive $0xFFFF;
	_ =	sdelay $0x1  }
0xdb: {  	s8 =	smul.u32 $0x7A1400, s13  }
0xdc: {  	s10 =	sand.u32 $0x380, s15  }
0xdd: {  	s15 =	sshrl.u32 s4, $0x3;
	s8 =	sor.u32 s10, s8  }
0xde: {  	s18 =	simm.s32 $0x1;
	s16 =	simm.s32 $0x10;
	s10 =	sadd.s32 $0x28B000, s8  }
0xdf: {  	s20 =	simm.s32 $0x80;
	s24 =	simm.s32 $0x1C02;
	s10 =	sshrl.u32 s10, $0x3  }
.Ltmp5:
0xe0: {  	s8 =	sadd.s32 $0x3D0800, s8;
	s10 =	sadd.s32 s0, s10;
	(pc) =	sbr.rel .LBB2_11-.Ltmp5, $4  }
0xe1: {  	[spmem:s15@s16], [sflag:s24] =	dma.strided [hbm:s10@s20], $0x5160, s18, $0x10   }
0xe2: {  	s8 =	sshrl.u32 s8, $0x3;
	s10 =	rddreg [dreg:$0x14]  }
0xe3: {  	s8 =	sadd.s32 s0, s8;
	s10 =	sshrl.u32 s10, $0x3  }
0xe4: {  	[spmem:s10@s16], [sflag:s24] =	dma.strided [hbm:s8@s20], $0x5160, s18, $0x10   }
.LBB2_10:
.Ltmp6:
0xe5: {  	(pc) =	sbr.rel @p0 .LBB2_12-.Ltmp6, $1  }
0xe6: {  	_ =	sdelay $0x3  }
.LBB2_11:
0xe7: {  	s8 =	simm.s32 $0x3  }
0xe8: {  	_ =	swait.ge [sflag:s8], $0xA2C0  }
0xe9: {  	[sflag:s8] =	ssyncset.done $0x0  }
0xea: {  	[sflag:s8] =	ssyncadd.s32 $0xFFFF5D40  }
.LBB2_12:
0xeb: {  	[bflag:$0x0] =	sbarrier.arrive $0xFFFF  }
0xec: {  	(ifvalue) =	ssetifvalue $0x7FFFFFFF  }
0xed: {  	s8 =	simm.s32 $0x11420;
	(ifvalue) =	ssetifvalue $0x7FFFFFFF  }
0xee: {  	[tilespmem:s11], [sflag:$0x4] =	stream.indirect.gather [spmem:s5], $0x1, s8, s1, $0x40b8;
	[tilespmem:$0x154A0] =	vst v63  }
0xef: {  	(ifvalue) =	ssetifvalue $0x7FFFFFFF  }
0xf0: {  	s20 =	simm.s32 $0x12020;
	(ifvalue) =	ssetifvalue $0x7FFFFFFF  }
0xf1: {  	[tilespmem:s19], [sflag:$0x4] =	stream.indirect.gather [spmem:s5], $0x1, s20, s1, $0x40b8;
	[tilespmem:$0x154A0] =	vst v63  }
0xf2: {  	_ =	swait.ge [sflag:s29], $0x400  }
0xf3: {  	[sflag:s29] =	ssyncset.done $0x0  }
0xf4: {  	[sflag:s29] =	ssyncadd.s32 $0xFFFFFC00  }
0xf5: {  	_ =	swait.ge [sflag:s29], $0x400  }
0xf6: {  	[sflag:s29] =	ssyncset.done $0x0  }
0xf7: {  	s24 =	simm.s32 $0x0;
	[sflag:s29] =	ssyncadd.s32 $0xFFFFFC00  }
0xf8: {  	v5 =	vld [tilespmem:s24+$0xF820]  }
0xf9: {  	v6 =	vld [tilespmem:s24+$0xFC20];
	_ =	sdelay $0x1  }
0xfa: {  	v7 =	vld [tilespmem:s24+$0xF420];
	_ =	sdelay $0x1  }
0xfb: {  	v3 =	vadd.s32 $0xFFF0BE00, v5  }
0xfc: {  	s10 =	sshll.u32 s9, $0x6;
	v4 =	vadd.s32 $0xFFF0BE00, v6;
	vm0 =	vgt.s32 v3, $0x0  }
0xfd: {  	v2 =	vmov s10;
	vm10 =	vgt.s32 v4, $0x0;
	v3 =	vnsel vm0, $0x0, v3  }
0xfe: {  	v10 =	vld [tilespmem:s24+$0x12820];
	v8 =	vadd.s32 $0xFFF0BE00, v7;
	v9 =	vadd.s32 v2, v3;
	v3 =	vnsel vm10, $0x0, v4  }
0xff: {  	s20 =	simm.s32 $0x10;
	v13 =	vld [tilespmem:s24+$0x12420];
	vm11 =	vgt.s32 v8, $0x0;
	v4 =	vadd.s32 v2, v3  }
0x100: {  	vm1 =	vgt.s32 v5, $0xF41FF;
	v5 =	vld [tilespmem:s20+$0xF420];
	v3 =	vnsel vm11, $0x0, v8  }
0x101: {  	v8 =	vld [tilespmem:s24+$0x12C20];
	v11 =	vadd.s32 v2, v3  }
0x102: {  	v3 =	vld [tilespmem:s20+$0xF820]  }
0x103: {  	v9 =	vld.idx.msk [tilespmem:v9+s31+$0x0], $0xffff  }
0x104: {  	v12 =	vld.idx.msk [tilespmem:v4+s31+$0x0], $0xffff  }
0x105: {  	v4 =	vld [tilespmem:s20+$0xFC20]  }
0x106: {  	v11 =	vld.idx.msk [tilespmem:v11+s30+$0x0], $0xffff;
	_ =	sdelay $0x1  }
0x107: {  	vm12 =	vgt.s32 v7, $0xF41FF;
	vm2 =	vgt.s32 v6, $0xF41FF  }
0x108: {  	v6 =	vadd.s32 $0xFFF0BE00, v3;
	v7 =	vsel vm1, v9, v10;
	v9 =	vld [tilespmem:s24+$0x13020];
	v12 =	vsel vm2, v12, v8  }
0x109: {  	v16 =	vadd.s32 $0xFFF0BE00, v5;
	vm13 =	vgt.s32 v6, $0x0;
	v10 =	vsub.f32 v7, v12  }
0x10a: {  	v6 =	vnsel vm13, $0x0, v6;
	v8 =	vadd.s32 $0xFFF0BE00, v4;
	v11 =	vsel vm12, v11, v13  }
0x10b: {  	vm14 =	vgt.s32 v8, $0x0;
	v13 =	vadd.s32 v2, v6;
	v14 =	vmul.f32 v10, v11  }
0x10c: {  	v7 =	vmul.f32 v7, v7;
	v6 =	vnsel vm14, $0x0, v8;
	v8 =	vld [tilespmem:s20+$0x12820];
	v11 =	vmul.f32 v11, v11  }
0x10d: {  	s13 =	simm.s32 $0x20;
	vm15 =	vgt.s32 v16, $0x0;
	v15 =	vadd.s32 v2, v6;
	v10 =	vld [tilespmem:s20+$0x12C20];
	v14 =	vadd.f32 v14, v9  }
0x10e: {  	v6 =	vld [tilespmem:s13+$0xF420];
	v7 =	vadd.f32 v7, v11;
	v11 =	vnsel vm15, $0x0, v16  }
0x10f: {  	v9 =	vld [tilespmem:s13+$0xF820];
	[tilespmem:s24+$0x13020] =	vst v14;
	v14 =	vadd.s32 v2, v11  }
0x110: {  	v17 =	vmul.f32 v12, v12  }
0x111: {  	v12 =	vld.idx.msk [tilespmem:v13+s31+$0x0], $0xffff  }
0x112: {  	v7 =	vadd.f32 v17, v7;
	v13 =	vld.idx.msk [tilespmem:v15+s31+$0x0], $0xffff  }
0x113: {  	s17 =	sadd.s32 $0x1, s17;
	s15 =	simm.s32 $0xC0;
	v11 =	vld [tilespmem:s13+$0xFC20]  }
.LBB2_13:
0x114: {  	p3 =	sne.s32 s15, $0xFC0;
	v14 =	vld.idx.msk [tilespmem:v14+s30+$0x0], $0xffff;
	v1 =	vadd.f32 v7, v1  }
0x115: {  	v7 =	vld [tilespmem:s20+$0x12420]  }
0x116: {  	vm0 =	vgt.s32 v5, $0xF41FF;
	v5 =	vmov v6  }
0x117: {  	vm1 =	vgt.s32 v3, $0xF41FF;
	vm2 =	vgt.s32 v4, $0xF41FF;
	v6 =	vadd.s32 $0xFFF0BE00, v5;
	v3 =	vmovc v9  }
0x118: {  	v9 =	vadd.s32 $0xFFF0BE00, v3;
	v12 =	vsel vm1, v12, v8;
	v13 =	vsel vm2, v13, v10;
	v15 =	vld [tilespmem:s20+$0x13020];
	v4 =	vmovc v11  }
0x119: {  	vm1 =	vgt.s32 v9, $0x0;
	v10 =	vsub.f32 v12, v13;
	v8 =	vadd.s32 $0xFFF0BE00, v4  }
0x11a: {  	v9 =	vnsel vm1, $0x0, v9;
	vm1 =	vgt.s32 v8, $0x0;
	v7 =	vsel vm0, v14, v7  }
0x11b: {  	v11 =	vadd.s32 v2, v9;
	v9 =	vnsel vm1, $0x0, v8;
	v14 =	vmul.f32 v10, v7  }
0x11c: {  	vm0 =	vgt.s32 v6, $0x0;
	v7 =	vmul.f32 v7, v7;
	v8 =	vld [tilespmem:s13+$0x12820];
	v16 =	vadd.s32 v2, v9  }
0x11d: {  	s8 =	sshra.s32 s15, $0x2;
	v12 =	vmul.f32 v12, v12;
	v9 =	vnsel vm0, $0x0, v6;
	v10 =	vld [tilespmem:s13+$0x12C20];
	v15 =	vadd.f32 v14, v15  }
.Ltmp7:
0x11e: {  	v17 =	vmul.f32 v13, v13;
	v14 =	vadd.s32 v2, v9;
	v6 =	vld [tilespmem:s8+$0xF420];
	(pc) =	sbr.rel @p3 .LBB2_13-.Ltmp7, $4  }
0x11f: {  	v7 =	vadd.f32 v12, v7;
	v9 =	vld [tilespmem:s8+$0xF820];
	[tilespmem:s20+$0x13020] =	vst v15;
	s20 =	smov.u32 s13;
	s13 =	smov.u32 s8  }
0x120: {  	v12 =	vld.idx.msk [tilespmem:v11+s31+$0x0], $0xffff  }
0x121: {  	v7 =	vadd.f32 v17, v7;
	v13 =	vld.idx.msk [tilespmem:v16+s31+$0x0], $0xffff  }
0x122: {  	s15 =	sadd.s32 $0x40, s15;
	v11 =	vld [tilespmem:s13+$0xFC20]  }
0x123: {  	_ =	sdelay $0x3  }
0x124: {  	v14 =	vld.idx.msk [tilespmem:v14+s30+$0x0], $0xffff  }
0x125: {  	v15 =	vld [tilespmem:s20+$0x12420]  }
0x126: {  	vm0 =	vgt.s32 v5, $0xF41FF  }
0x127: {  	vm1 =	vgt.s32 v3, $0xF41FF;
	vm2 =	vgt.s32 v4, $0xF41FF;
	v54 =	vadd.s32 $0xFFF0BE00, v6  }
0x128: {  	v56 =	vld [tilespmem:s20+$0x13020];
	v3 =	vadd.s32 $0xFFF0BE00, v9;
	v53 =	vsel vm1, v12, v8;
	v55 =	vsel vm2, v13, v10  }
0x129: {  	vm10 =	vgt.s32 v3, $0x0;
	v57 =	vadd.s32 $0xFFF0BE00, v11;
	v13 =	vsub.f32 v53, v55  }
0x12a: {  	v3 =	vnsel vm10, $0x0, v3;
	v14 =	vsel vm0, v14, v15;
	vm11 =	vgt.s32 v57, $0x0  }
0x12b: {  	v3 =	vadd.s32 v2, v3;
	v12 =	vnsel vm11, $0x0, v57;
	v13 =	vmul.f32 v13, v14  }
0x12c: {  	vm12 =	vgt.s32 v54, $0x0;
	v12 =	vadd.s32 v2, v12  }
0x12d: {  	v5 =	vnsel vm12, $0x0, v54;
	v10 =	vadd.f32 v13, v56  }
0x12e: {  	v58 =	vld [tilespmem:s13+$0x12820];
	v2 =	vadd.s32 v2, v5  }
0x12f: {  	v59 =	vld [tilespmem:s13+$0x12C20];
	[tilespmem:s20+$0x13020] =	vst v10  }
0x130: {  	v3 =	vld.idx.msk [tilespmem:v3+s31+$0x0], $0xffff  }
0x131: {  	v10 =	vld.idx.msk [tilespmem:v12+s31+$0x0], $0xffff  }
0x132: {  	v60 =	vld [tilespmem:s13+$0x12420]  }
0x133: {  	v2 =	vld.idx.msk [tilespmem:v2+s30+$0x0], $0xffff;
	_ =	sdelay $0x1  }
0x134: {  	vm13 =	vgt.s32 v9, $0xF41FF;
	vm14 =	vgt.s32 v11, $0xF41FF  }
0x135: {  	v61 =	vld [tilespmem:s13+$0x13020];
	v3 =	vsel vm13, v3, v58;
	v5 =	vsel vm14, v10, v59  }
0x136: {  	vm15 =	vgt.s32 v6, $0xF41FF;
	s8 =	sadd.s32 @p2 $0x1, s9;
	v62 =	vsub.f32 v3, v5  }
0x137: {  	s9 =	sshrl.u32 @p2 s8, $0x3;
	v2 =	vsel vm15, v2, v60  }
0x138: {  	s8 =	sshll.u32 @p2 s8, $0x7;
	s9 =	smul.u32 @p2 $0x7A1400, s9;
	v6 =	vmul.f32 v62, v2  }
0x139: {  	s8 =	sand.u32 @p2 $0x380, s8  }
0x13a: {  	s10 =	sshrl.u32 @p2 s5, $0x3;
	s8 =	sor.u32 @p2 s8, s9;
	v6 =	vadd.f32 v6, v61  }
0x13b: {  	s15 =	simm.s32 @p2 $0x10;
	s16 =	simm.s32 @p2 $0x80;
	s9 =	sadd.s32 @p2 $0x516000, s8  }
0x13c: {  	s19 =	simm.s32 @p2 $0x1C03;
	s8 =	sadd.s32 @p2 $0x65B800, s8;
	s9 =	sshrl.u32 @p2 s9, $0x3;
	[tilespmem:s13+$0x13020] =	vst v6  }
0x13d: {  	s9 =	sadd.s32 @p2 s0, s9;
	s13 =	simm.s32 @p2 $0x1;
	[bflag:$0x0] =	sbarrier.arrive $0xFFFF  }
0x13e: {  	v4 =	vmul.f32 v53, v53;
	v63 =	vmul.f32 v14, v14;
	[spmem:s10@s15], [sflag:s19] =	dma.strided @p2 [hbm:s9@s16], $0x5160, s13, $0x10   }
0x13f: {  	v8 =	vmul.f32 v55, v55;
	s8 =	sshrl.u32 @p2 s8, $0x3;
	s9 =	rddreg [dreg:$0x17]  }
0x140: {  	s8 =	sadd.s32 @p2 s0, s8;
	v4 =	vadd.f32 v4, v63;
	v3 =	vmul.f32 v3, v3;
	v2 =	vmul.f32 v2, v2;
	s9 =	sshrl.u32 @p2 s9, $0x3  }
0x141: {  	v1 =	vadd.f32 v7, v1;
	[spmem:s9@s15], [sflag:s19] =	dma.strided @p2 [hbm:s8@s16], $0x5160, s13, $0x10   }
0x142: {  	v4 =	vadd.f32 v8, v4;
	v5 =	vmul.f32 v5, v5;
	v2 =	vadd.f32 v3, v2;
	p2 =	sne.s32 s17, $0x20  }
.Ltmp8:
0x143: {  	_ = 	snop;
	(pc) =	sbr.rel @p2 .LBB2_4-.Ltmp8, $2  }
0x144: {  	v1 =	vadd.f32 v4, v1;
	v2 =	vadd.f32 v5, v2;
	_ =	sdelay $0x1  }
0x145: {  	v1 =	vadd.f32 v2, v1;
	_ =	sdelay $0x1  }
0x146: {  	s16 =	simm.s32 $0x0  }
0x147: {  	[tilespmem:$0x13420] =	vst v1;
	s6 =	rddreg [dreg:$0x19];
	s7 =	simm.s32 $0x13020;
	s8 =	simm.s32 $0x5  }
0x148: {  	[hbm4b:s6+s16] =	stream.linear.scatter [tilespmem:s7], [sflag:$0x5], $0x400, $0x38;
	[tilespmem:$0x154A0] =	vst v63  }
0x149: {  	_ =	swait.ge [sflag:s8], $0x400  }
0x14a: {  	[sflag:s8] =	ssyncset.done $0x0  }
0x14b: {  	s24 =	simm.s32 $0x13420;
	s23 =	rddreg [dreg:$0x1a];
	[sflag:s8] =	ssyncadd.s32 $0xFFFFFC00  }
0x14c: {  	[hbm4b:s23+s16] =	stream.linear.scatter [tilespmem:s24], [sflag:$0x5], $0x10, $0x38;
	[tilespmem:$0x154A0] =	vst v63  }
0x14d: {  	_ =	swait.ge [sflag:s8], $0x10  }
0x14e: {  	s25 =	rddreg [dreg:$0x1c]  }
0x14f: {  	s28 =	rddreg [dreg:$0x1b];
	s7 =	sadd.s32 $0x1, s25  }
0x150: {  	p2 =	sne.s32 s7, s28  }
.Ltmp9:
0x151: {  	_ = 	snop;
	(pc) =	sbr.rel @p2 .LBB2_1-.Ltmp9, $3  }
0x152: {  	_ =	sdelay $0x1  }
0x153: {  	[sflag:s8] =	ssyncset.done $0x0  }
0x154: {  	[sflag:s8] =	ssyncadd.s32 $0xFFFFFFF0  }
0x155: {  	_ =	sfence.sel $0x180000  }
0x156: {  	[bflag:$0x0] =	sbarrier.arrive $0xFFFF  }
0x157: {  	_ =	strace $0x90000047  }
0x158: {  	[bflag:$0x2] =	sbarrier.arrive $0xFFFF  }
0x159: {  	s0 =	rddreg [dreg:$0x9]  }
0x15a: {  	s0 =	sadd.s32 @!p0 $0x100000, s0  }
0x15b: {  	[sflag:s0] =	ssyncadd.tile.s32 @!p0 $0x1;
	_ =	shalt  }
.Lfunc_end2:
_tile_overlayer_lowered:
.L_overlay_start_2:
0x15c: {  	(tag) =	ssettag $0x2  }
0x15d: {  	s0 =	rddreg [dreg:$0x0];
	s2 =	stileid.u32  }
0x15e: {  	s1 =	rddreg [dreg:$0x1];
	p0 =	sne.s32 s2, $0x0  }
0x15f: {  	s3 =	rddreg [dreg:$0x2];
	[bflag:$0x3] =	sbarrier.arrive $0xFFFF;
	s2 =	simm.s32 @!p0 $0x1C05  }
0x160: {  	[timem:s3], [sflag:s2] =	dma.local @!p0 [hbm:s0], s1  }
0x161: {  	s0 =	simm.s32 @!p0 $0x5  }
0x162: {  	_ =	swait.ge @!p0 [sflag:s0], s1  }
0x163: {  	s1 =	ssub.s32 @!p0 $0x0, s1;
	[sflag:s0] =	ssyncset.done @!p0 $0x0  }
0x164: {  	[sflag:s0] =	ssyncadd.s32 @!p0 s1  }
0x165: {  	[bflag:$0x3] =	sbarrier.arrive $0xFFFF  }
0x166: {  	_ =	shalt  }

</sc_bundles>
